<compile_context>
chip_gen: v7x
topology: tpu7x:2x2x1
jax: 0.10.2.dev20260603
libtpu: 0.0.44.dev20260713+nightly
codegen_flags: <defaults>
</compile_context>

<pallas_src>
import functools

import jax
import jax.numpy as jnp
from jax import lax
from jax.experimental import pallas as pl
from jax.experimental.pallas import tpu as pltpu
from jax.experimental.pallas import tpu_sc as plsc

_E = 8
_T = 32
_H = 4096
_O = 4096
_H_BS = 512
_NC = 2
_NS = 16
_L = 16


def _router_body(x_hbm, gate_hbm, ew_hbm, out_hbm, xv, gv, wv):
    t = lax.axis_index("s") * _NC + lax.axis_index("c")
    pltpu.sync_copy(x_hbm.at[t], xv)
    pltpu.sync_copy(gate_hbm, gv)
    lg = []
    for e in range(_E):
        def body(i, acc, e=e):
            off = i * _L
            return acc + xv[pl.ds(off, _L)] * gv[e, pl.ds(off, _L)]
        acc = lax.fori_loop(0, _H // _L, body,
                            jnp.zeros((_L,), jnp.float32), unroll=8)
        s = acc[0]
        for j in range(1, _L):
            s = s + acc[j]
        lg.append(s)
    m1 = lg[0]
    for e in range(1, _E):
        m1 = jnp.maximum(m1, lg[e])
    i1 = jnp.int32(_E - 1)
    for e in range(_E - 2, -1, -1):
        i1 = jnp.where(lg[e] == m1, jnp.int32(e), i1)
    m2 = jnp.float32(-jnp.inf)
    for e in range(_E):
        keep = (jnp.int32(e) != i1) & (lg[e] > m2)
        m2 = jnp.where(keep, lg[e], m2)
    i2 = jnp.int32(_E - 1)
    for e in range(_E - 2, -1, -1):
        i2 = jnp.where((lg[e] == m2) & (jnp.int32(e) != i1),
                       jnp.int32(e), i2)
    idx = lax.iota(jnp.int32, _L)
    r = jnp.exp(jnp.full((_L,), m2 - m1, jnp.float32))
    w1 = 1.0 / (1.0 + r)
    w2 = 1.0 - w1
    wv[...] = jnp.where(idx == i1, w1, 0.0) + jnp.where(idx == i2, w2, 0.0)
    pltpu.sync_copy(wv, out_hbm.at[t])


def _router(xf, gate_t, expert_w):
    mesh = plsc.VectorSubcoreMesh(core_axis_name="c", subcore_axis_name="s")
    k = functools.partial(
        pl.kernel,
        mesh=mesh,
        out_type=jax.ShapeDtypeStruct((_T, _L), jnp.float32),
        scratch_types=[
            pltpu.VMEM((_H,), jnp.float32),
            pltpu.VMEM((_E, _H), jnp.float32),
            pltpu.VMEM((_L,), jnp.float32),
        ],
    )(_router_body)
    return k(xf, gate_t, expert_w)


def _partials_body(x_ref, w_ref, out_ref):
    h = pl.program_id(1)

    @pl.when(h == 0)
    def _init():
        out_ref[...] = jnp.zeros_like(out_ref)

    xs = x_ref[:, pl.ds(h * _H_BS, _H_BS)]
    out_ref[0] += jnp.dot(xs, w_ref[0], preferred_element_type=jnp.float32)


_C_BS = 512


def _combine_body(p_ref, wts_ref, out_ref):
    acc = p_ref[0] * wts_ref[:, 0:1]
    for e in range(1, _E):
        acc += p_ref[e] * wts_ref[:, e:e + 1]
    out_ref[:, 0, :] = acc


def kernel(x, gate_w, expert_w):
    B_, S_, H = x.shape
    xf = x.reshape(B_ * S_, H)
    wts = _router(xf, gate_w.T, expert_w)
    partials = pl.pallas_call(
        _partials_body,
        grid=(_E, _H // _H_BS),
        in_specs=[
            pl.BlockSpec((_T, _H), lambda e, h: (0, 0)),
            pl.BlockSpec((1, _H_BS, _O), lambda e, h: (e, h, 0)),
        ],
        out_specs=pl.BlockSpec((1, _T, _O), lambda e, h: (e, 0, 0)),
        out_shape=jax.ShapeDtypeStruct((_E, _T, _O), jnp.float32),
        compiler_params=pltpu.CompilerParams(
            dimension_semantics=("arbitrary", "arbitrary")),
    )(xf, expert_w)
    out = pl.pallas_call(
        _combine_body,
        grid=(_O // _C_BS,),
        in_specs=[
            pl.BlockSpec((_E, _T, _C_BS), lambda o: (0, 0, o)),
            pl.BlockSpec((_T, _L), lambda o: (0, 0)),
        ],
        out_specs=pl.BlockSpec((_T, 1, _C_BS), lambda o: (0, 0, o)),
        out_shape=jax.ShapeDtypeStruct((_T, 1, _O), jnp.float32),
        compiler_params=pltpu.CompilerParams(
            dimension_semantics=("arbitrary",)),
    )(partials, wts)
    return out.reshape(B_, S_, _O)

# --- scband reference (transcript-rebuilt; emitter-appended) ---
"""Pipeline reference for scband-tt-moe-layer-1597727834772 (READ-ONLY COPY).

The authoritative reference and input builder live on the scoring server;
editing this copy changes nothing except your own understanding.
"""

import jax, jax.numpy as jnp
import numpy as np

NUM_EXPERTS = 8
TOP_K = 2
D_MODEL = 4096
D_OUT = 4096
B = 32
S = 1


def setup_inputs(seed: int = 0) -> dict:
    key = jax.random.key(seed)
    k1, k2, k3 = jax.random.split(key, 3)
    x = jax.random.normal(k1, (B, S, D_MODEL), dtype=jnp.float32)
    gate_w = jax.random.normal(k2, (D_MODEL, NUM_EXPERTS), dtype=jnp.float32) * 0.02
    expert_w = jax.random.normal(k3, (NUM_EXPERTS, D_MODEL, D_OUT), dtype=jnp.float32) * 0.02
    return {"x": x, "gate_w": gate_w, "expert_w": expert_w}


def reference(x, gate_w, expert_w):
    # x: [B, S, H], gate_w: [H, E], expert_w: [E, H, O]
    B_, S_, H = x.shape
    E = expert_w.shape[0]
    O = expert_w.shape[2]
    xf = x.reshape(B_ * S_, H)
    # Router: gate logits, top-2 expert selection, softmax over the selected logits
    gate_logits = xf @ gate_w                      # [T, E]
    top_w, selected = jax.lax.top_k(gate_logits, TOP_K)  # [T, K], [T, K]
    top_w = jax.nn.softmax(top_w, axis=-1)         # softmax over top-k, as in the ttnn code
    # Per-expert (per-device) path: tokens routed to expert e get expert_e(x) * weight,
    # non-routed tokens contribute zero (the ttnn code zero-fills output_i then scatters);
    # the final all-gather + reduce-SUM is a sum over experts.
    out = jnp.zeros((B_ * S_, O), dtype=jnp.float32)
    for e in range(E):
        match = (selected == e).astype(top_w.dtype)        # [T, K]
        token_w = jnp.sum(top_w * match, axis=-1)          # [T], zero if not routed to e
        expert_out = xf @ expert_w[e]                      # [T, O]
        out = out + expert_out * token_w[:, None]
    return out.reshape(B_, S_, O)

if __name__ == "__main__":
    import jax
    _d = setup_inputs()
    print(jax.jit(kernel)(*tuple(_d.values())))

</pallas_src>

<mosaic_0001>
#map = affine_map<(d0, d1) -> (0, 0)>
#map1 = affine_map<(d0, d1) -> (0, 0, 0)>
module attributes {stable_mosaic.version = 14 : i64} {
  func.func @_router_body(%arg0: i32, %arg1: i32, %arg2: memref<32x4096xf32, #tpu.memory_space<hbm>>, %arg3: memref<8x4096xf32, #tpu.memory_space<hbm>>, %arg4: memref<8x4096x4096xf32, #tpu.memory_space<hbm>>, %arg5: memref<32x16xf32, #tpu.memory_space<hbm>>, %arg6: memref<4096xf32, #tpu.memory_space<vmem>>, %arg7: memref<8x4096xf32, #tpu.memory_space<vmem>>, %arg8: memref<16xf32, #tpu.memory_space<vmem>>) attributes {dimension_semantics = [#tpu.dimension_semantics<core_parallel>, #tpu.dimension_semantics<subcore_parallel>], iteration_bounds = array<i64: 2, 16>, scalar_prefetch = 0 : i64, scratch_operands = 3 : i64, tpu.core_type = #tpu.core_type<sc_vector_subcore>, window_params = [{transform_indices = #map}, {transform_indices = #map}, {transform_indices = #map1}, {transform_indices = #map}]} {
    %mul3A = arith.constant 2 : i32
    %mul3A_0 = arith.muli %arg1, %mul3A : i32
    %add3A = arith.addi %mul3A_0, %arg0 : i32
    "tpu.region"() ({
      %run_scoped3A = tpu.sem_alloc : memref<!tpu.dma_semaphore, #tpu.memory_space<semaphore_mem>>
      %dma_start3A = arith.constant 0 : i32
      %dma_start3A_567 = tpu.memref_slice %arg2[%add3A, %dma_start3A] : memref<32x4096xf32, #tpu.memory_space<hbm>> -> memref<1x4096xf32, #tpu.memory_space<hbm>>
      %dma_start3A_568 = tpu.memref_squeeze %dma_start3A_567 : memref<1x4096xf32, #tpu.memory_space<hbm>> -> memref<4096xf32, #tpu.memory_space<hbm>>
      %dma_start3A_569 = arith.constant 0 : i32
      %dma_start3A_570 = tpu.memref_slice %arg2[%add3A, %dma_start3A_569] : memref<32x4096xf32, #tpu.memory_space<hbm>> -> memref<1x4096xf32, #tpu.memory_space<hbm>>
      %dma_start3A_571 = tpu.memref_squeeze %dma_start3A_570 : memref<1x4096xf32, #tpu.memory_space<hbm>> -> memref<4096xf32, #tpu.memory_space<hbm>>
      tpu.enqueue_dma source(%dma_start3A_571 : memref<4096xf32, #tpu.memory_space<hbm>>) target(%arg6 : memref<4096xf32, #tpu.memory_space<vmem>>) target_semaphore(%run_scoped3A : memref<!tpu.dma_semaphore, #tpu.memory_space<semaphore_mem>>)
      %dma_wait3A = arith.constant 0 : i32
      %dma_wait3A_572 = tpu.memref_slice %arg2[%add3A, %dma_wait3A] : memref<32x4096xf32, #tpu.memory_space<hbm>> -> memref<1x4096xf32, #tpu.memory_space<hbm>>
      %dma_wait3A_573 = tpu.memref_squeeze %dma_wait3A_572 : memref<1x4096xf32, #tpu.memory_space<hbm>> -> memref<4096xf32, #tpu.memory_space<hbm>>
      %dma_wait3A_574 = arith.constant 0 : i32
      %dma_wait3A_575 = tpu.memref_slice %arg2[%add3A, %dma_wait3A_574] : memref<32x4096xf32, #tpu.memory_space<hbm>> -> memref<1x4096xf32, #tpu.memory_space<hbm>>
      %dma_wait3A_576 = tpu.memref_squeeze %dma_wait3A_575 : memref<1x4096xf32, #tpu.memory_space<hbm>> -> memref<4096xf32, #tpu.memory_space<hbm>>
      tpu.wait_dma2 semaphore(%run_scoped3A : memref<!tpu.dma_semaphore, #tpu.memory_space<semaphore_mem>>) src(%dma_wait3A_576 : memref<4096xf32, #tpu.memory_space<hbm>>) dst(%arg6 : memref<4096xf32, #tpu.memory_space<vmem>>)
      tpu.yield
    }) : () -> ()
    "tpu.region"() ({
      %run_scoped3A = tpu.sem_alloc : memref<!tpu.dma_semaphore, #tpu.memory_space<semaphore_mem>>
      tpu.enqueue_dma source(%arg3 : memref<8x4096xf32, #tpu.memory_space<hbm>>) target(%arg7 : memref<8x4096xf32, #tpu.memory_space<vmem>>) target_semaphore(%run_scoped3A : memref<!tpu.dma_semaphore, #tpu.memory_space<semaphore_mem>>)
      tpu.wait_dma2 semaphore(%run_scoped3A : memref<!tpu.dma_semaphore, #tpu.memory_space<semaphore_mem>>) src(%arg3 : memref<8x4096xf32, #tpu.memory_space<hbm>>) dst(%arg7 : memref<8x4096xf32, #tpu.memory_space<vmem>>)
      tpu.yield
    }) : () -> ()
    %broadcast_in_dim3A = arith.constant 0.000000e+00 : f32
    %broadcast_in_dim3A_1 = vector.broadcast %broadcast_in_dim3A : f32 to vector<16xf32>
    %scan3A = arith.constant 0 : i32
    %scan3A_2 = arith.constant 256 : i32
    %scan3A_3 = arith.addi %scan3A, %scan3A_2 : i32
    %scan3A_4 = arith.constant 8 : i32
    %scan3A_5 = scf.for %scan3A_567 = %scan3A to %scan3A_3 step %scan3A_4 iter_args(%scan3A_568 = %broadcast_in_dim3A_1) -> (vector<16xf32>)  : i32 {
      %mul3A_569 = arith.constant 16 : i32
      %mul3A_570 = arith.muli %scan3A_567, %mul3A_569 : i32
      %get3A = arith.index_cast %mul3A_570 : i32 to index
      %get3A_571 = tpu.vector_load %arg6[%get3A] {strides = array<i32>} : memref<4096xf32, #tpu.memory_space<vmem>>, vector<16xf32>,
      %get3A_572 = vector.shape_cast %get3A_571 : vector<16xf32> to vector<16xf32>
      %get3A_573 = arith.constant 0 : i32
      %get3A_574 = arith.index_cast %get3A_573 : i32 to index
      %get3A_575 = arith.index_cast %mul3A_570 : i32 to index
      %get3A_576 = tpu.vector_load %arg7[%get3A_574, %get3A_575] {strides = array<i32>} : memref<8x4096xf32, #tpu.memory_space<vmem>>, vector<1x16xf32>,
      %get3A_577 = vector.shape_cast %get3A_576 : vector<1x16xf32> to vector<16xf32>
      %mul3A_578 = arith.mulf %get3A_572, %get3A_577 : vector<16xf32>
      %add3A_579 = arith.addf %scan3A_568, %mul3A_578 : vector<16xf32>
      %scan3A_580 = arith.constant 1 : i32
      %scan3A_581 = arith.addi %scan3A_567, %scan3A_580 : i32
      %mul3A_582 = arith.constant 16 : i32
      %mul3A_583 = arith.muli %scan3A_581, %mul3A_582 : i32
      %get3A_584 = arith.index_cast %mul3A_583 : i32 to index
      %get3A_585 = tpu.vector_load %arg6[%get3A_584] {strides = array<i32>} : memref<4096xf32, #tpu.memory_space<vmem>>, vector<16xf32>,
      %get3A_586 = vector.shape_cast %get3A_585 : vector<16xf32> to vector<16xf32>
      %get3A_587 = arith.constant 0 : i32
      %get3A_588 = arith.index_cast %get3A_587 : i32 to index
      %get3A_589 = arith.index_cast %mul3A_583 : i32 to index
      %get3A_590 = tpu.vector_load %arg7[%get3A_588, %get3A_589] {strides = array<i32>} : memref<8x4096xf32, #tpu.memory_space<vmem>>, vector<1x16xf32>,
      %get3A_591 = vector.shape_cast %get3A_590 : vector<1x16xf32> to vector<16xf32>
      %mul3A_592 = arith.mulf %get3A_586, %get3A_591 : vector<16xf32>
      %add3A_593 = arith.addf %add3A_579, %mul3A_592 : vector<16xf32>
      %scan3A_594 = arith.constant 2 : i32
      %scan3A_595 = arith.addi %scan3A_567, %scan3A_594 : i32
      %mul3A_596 = arith.constant 16 : i32
      %mul3A_597 = arith.muli %scan3A_595, %mul3A_596 : i32
      %get3A_598 = arith.index_cast %mul3A_597 : i32 to index
      %get3A_599 = tpu.vector_load %arg6[%get3A_598] {strides = array<i32>} : memref<4096xf32, #tpu.memory_space<vmem>>, vector<16xf32>,
      %get3A_600 = vector.shape_cast %get3A_599 : vector<16xf32> to vector<16xf32>
      %get3A_601 = arith.constant 0 : i32
      %get3A_602 = arith.index_cast %get3A_601 : i32 to index
      %get3A_603 = arith.index_cast %mul3A_597 : i32 to index
      %get3A_604 = tpu.vector_load %arg7[%get3A_602, %get3A_603] {strides = array<i32>} : memref<8x4096xf32, #tpu.memory_space<vmem>>, vector<1x16xf32>,
      %get3A_605 = vector.shape_cast %get3A_604 : vector<1x16xf32> to vector<16xf32>
      %mul3A_606 = arith.mulf %get3A_600, %get3A_605 : vector<16xf32>
      %add3A_607 = arith.addf %add3A_593, %mul3A_606 : vector<16xf32>
      %scan3A_608 = arith.constant 3 : i32
      %scan3A_609 = arith.addi %scan3A_567, %scan3A_608 : i32
      %mul3A_610 = arith.constant 16 : i32
      %mul3A_611 = arith.muli %scan3A_609, %mul3A_610 : i32
      %get3A_612 = arith.index_cast %mul3A_611 : i32 to index
      %get3A_613 = tpu.vector_load %arg6[%get3A_612] {strides = array<i32>} : memref<4096xf32, #tpu.memory_space<vmem>>, vector<16xf32>,
      %get3A_614 = vector.shape_cast %get3A_613 : vector<16xf32> to vector<16xf32>
      %get3A_615 = arith.constant 0 : i32
      %get3A_616 = arith.index_cast %get3A_615 : i32 to index
      %get3A_617 = arith.index_cast %mul3A_611 : i32 to index
      %get3A_618 = tpu.vector_load %arg7[%get3A_616, %get3A_617] {strides = array<i32>} : memref<8x4096xf32, #tpu.memory_space<vmem>>, vector<1x16xf32>,
      %get3A_619 = vector.shape_cast %get3A_618 : vector<1x16xf32> to vector<16xf32>
      %mul3A_620 = arith.mulf %get3A_614, %get3A_619 : vector<16xf32>
      %add3A_621 = arith.addf %add3A_607, %mul3A_620 : vector<16xf32>
      %scan3A_622 = arith.constant 4 : i32
      %scan3A_623 = arith.addi %scan3A_567, %scan3A_622 : i32
      %mul3A_624 = arith.constant 16 : i32
      %mul3A_625 = arith.muli %scan3A_623, %mul3A_624 : i32
      %get3A_626 = arith.index_cast %mul3A_625 : i32 to index
      %get3A_627 = tpu.vector_load %arg6[%get3A_626] {strides = array<i32>} : memref<4096xf32, #tpu.memory_space<vmem>>, vector<16xf32>,
      %get3A_628 = vector.shape_cast %get3A_627 : vector<16xf32> to vector<16xf32>
      %get3A_629 = arith.constant 0 : i32
      %get3A_630 = arith.index_cast %get3A_629 : i32 to index
      %get3A_631 = arith.index_cast %mul3A_625 : i32 to index
      %get3A_632 = tpu.vector_load %arg7[%get3A_630, %get3A_631] {strides = array<i32>} : memref<8x4096xf32, #tpu.memory_space<vmem>>, vector<1x16xf32>,
      %get3A_633 = vector.shape_cast %get3A_632 : vector<1x16xf32> to vector<16xf32>
      %mul3A_634 = arith.mulf %get3A_628, %get3A_633 : vector<16xf32>
      %add3A_635 = arith.addf %add3A_621, %mul3A_634 : vector<16xf32>
      %scan3A_636 = arith.constant 5 : i32
      %scan3A_637 = arith.addi %scan3A_567, %scan3A_636 : i32
      %mul3A_638 = arith.constant 16 : i32
      %mul3A_639 = arith.muli %scan3A_637, %mul3A_638 : i32
      %get3A_640 = arith.index_cast %mul3A_639 : i32 to index
      %get3A_641 = tpu.vector_load %arg6[%get3A_640] {strides = array<i32>} : memref<4096xf32, #tpu.memory_space<vmem>>, vector<16xf32>,
      %get3A_642 = vector.shape_cast %get3A_641 : vector<16xf32> to vector<16xf32>
      %get3A_643 = arith.constant 0 : i32
      %get3A_644 = arith.index_cast %get3A_643 : i32 to index
      %get3A_645 = arith.index_cast %mul3A_639 : i32 to index
      %get3A_646 = tpu.vector_load %arg7[%get3A_644, %get3A_645] {strides = array<i32>} : memref<8x4096xf32, #tpu.memory_space<vmem>>, vector<1x16xf32>,
      %get3A_647 = vector.shape_cast %get3A_646 : vector<1x16xf32> to vector<16xf32>
      %mul3A_648 = arith.mulf %get3A_642, %get3A_647 : vector<16xf32>
      %add3A_649 = arith.addf %add3A_635, %mul3A_648 : vector<16xf32>
      %scan3A_650 = arith.constant 6 : i32
      %scan3A_651 = arith.addi %scan3A_567, %scan3A_650 : i32
      %mul3A_652 = arith.constant 16 : i32
      %mul3A_653 = arith.muli %scan3A_651, %mul3A_652 : i32
      %get3A_654 = arith.index_cast %mul3A_653 : i32 to index
      %get3A_655 = tpu.vector_load %arg6[%get3A_654] {strides = array<i32>} : memref<4096xf32, #tpu.memory_space<vmem>>, vector<16xf32>,
      %get3A_656 = vector.shape_cast %get3A_655 : vector<16xf32> to vector<16xf32>
      %get3A_657 = arith.constant 0 : i32
      %get3A_658 = arith.index_cast %get3A_657 : i32 to index
      %get3A_659 = arith.index_cast %mul3A_653 : i32 to index
      %get3A_660 = tpu.vector_load %arg7[%get3A_658, %get3A_659] {strides = array<i32>} : memref<8x4096xf32, #tpu.memory_space<vmem>>, vector<1x16xf32>,
      %get3A_661 = vector.shape_cast %get3A_660 : vector<1x16xf32> to vector<16xf32>
      %mul3A_662 = arith.mulf %get3A_656, %get3A_661 : vector<16xf32>
      %add3A_663 = arith.addf %add3A_649, %mul3A_662 : vector<16xf32>
      %scan3A_664 = arith.constant 7 : i32
      %scan3A_665 = arith.addi %scan3A_567, %scan3A_664 : i32
      %mul3A_666 = arith.constant 16 : i32
      %mul3A_667 = arith.muli %scan3A_665, %mul3A_666 : i32
      %get3A_668 = arith.index_cast %mul3A_667 : i32 to index
      %get3A_669 = tpu.vector_load %arg6[%get3A_668] {strides = array<i32>} : memref<4096xf32, #tpu.memory_space<vmem>>, vector<16xf32>,
      %get3A_670 = vector.shape_cast %get3A_669 : vector<16xf32> to vector<16xf32>
      %get3A_671 = arith.constant 0 : i32
      %get3A_672 = arith.index_cast %get3A_671 : i32 to index
      %get3A_673 = arith.index_cast %mul3A_667 : i32 to index
      %get3A_674 = tpu.vector_load %arg7[%get3A_672, %get3A_673] {strides = array<i32>} : memref<8x4096xf32, #tpu.memory_space<vmem>>, vector<1x16xf32>,
      %get3A_675 = vector.shape_cast %get3A_674 : vector<1x16xf32> to vector<16xf32>
      %mul3A_676 = arith.mulf %get3A_670, %get3A_675 : vector<16xf32>
      %add3A_677 = arith.addf %add3A_663, %mul3A_676 : vector<16xf32>
      scf.yield %add3A_677 : vector<16xf32>
    }
    %scan3A_6 = arith.constant 256 : i32
    %slice3A = vector.extract_strided_slice %scan3A_5 {offsets = [0], sizes = [1], strides = [1]} : vector<16xf32> to vector<1xf32>
    %squeeze3A = vector.extract %slice3A[0] : f32 from vector<1xf32>
    %slice3A_7 = vector.extract_strided_slice %scan3A_5 {offsets = [1], sizes = [1], strides = [1]} : vector<16xf32> to vector<1xf32>
    %squeeze3A_8 = vector.extract %slice3A_7[0] : f32 from vector<1xf32>
    %add3A_9 = arith.addf %squeeze3A, %squeeze3A_8 : f32
    %slice3A_10 = vector.extract_strided_slice %scan3A_5 {offsets = [2], sizes = [1], strides = [1]} : vector<16xf32> to vector<1xf32>
    %squeeze3A_11 = vector.extract %slice3A_10[0] : f32 from vector<1xf32>
    %add3A_12 = arith.addf %add3A_9, %squeeze3A_11 : f32
    %slice3A_13 = vector.extract_strided_slice %scan3A_5 {offsets = [3], sizes = [1], strides = [1]} : vector<16xf32> to vector<1xf32>
    %squeeze3A_14 = vector.extract %slice3A_13[0] : f32 from vector<1xf32>
    %add3A_15 = arith.addf %add3A_12, %squeeze3A_14 : f32
    %slice3A_16 = vector.extract_strided_slice %scan3A_5 {offsets = [4], sizes = [1], strides = [1]} : vector<16xf32> to vector<1xf32>
    %squeeze3A_17 = vector.extract %slice3A_16[0] : f32 from vector<1xf32>
    %add3A_18 = arith.addf %add3A_15, %squeeze3A_17 : f32
    %slice3A_19 = vector.extract_strided_slice %scan3A_5 {offsets = [5], sizes = [1], strides = [1]} : vector<16xf32> to vector<1xf32>
    %squeeze3A_20 = vector.extract %slice3A_19[0] : f32 from vector<1xf32>
    %add3A_21 = arith.addf %add3A_18, %squeeze3A_20 : f32
    %slice3A_22 = vector.extract_strided_slice %scan3A_5 {offsets = [6], sizes = [1], strides = [1]} : vector<16xf32> to vector<1xf32>
    %squeeze3A_23 = vector.extract %slice3A_22[0] : f32 from vector<1xf32>
    %add3A_24 = arith.addf %add3A_21, %squeeze3A_23 : f32
    %slice3A_25 = vector.extract_strided_slice %scan3A_5 {offsets = [7], sizes = [1], strides = [1]} : vector<16xf32> to vector<1xf32>
    %squeeze3A_26 = vector.extract %slice3A_25[0] : f32 from vector<1xf32>
    %add3A_27 = arith.addf %add3A_24, %squeeze3A_26 : f32
    %slice3A_28 = vector.extract_strided_slice %scan3A_5 {offsets = [8], sizes = [1], strides = [1]} : vector<16xf32> to vector<1xf32>
    %squeeze3A_29 = vector.extract %slice3A_28[0] : f32 from vector<1xf32>
    %add3A_30 = arith.addf %add3A_27, %squeeze3A_29 : f32
    %slice3A_31 = vector.extract_strided_slice %scan3A_5 {offsets = [9], sizes = [1], strides = [1]} : vector<16xf32> to vector<1xf32>
    %squeeze3A_32 = vector.extract %slice3A_31[0] : f32 from vector<1xf32>
    %add3A_33 = arith.addf %add3A_30, %squeeze3A_32 : f32
    %slice3A_34 = vector.extract_strided_slice %scan3A_5 {offsets = [10], sizes = [1], strides = [1]} : vector<16xf32> to vector<1xf32>
    %squeeze3A_35 = vector.extract %slice3A_34[0] : f32 from vector<1xf32>
    %add3A_36 = arith.addf %add3A_33, %squeeze3A_35 : f32
    %slice3A_37 = vector.extract_strided_slice %scan3A_5 {offsets = [11], sizes = [1], strides = [1]} : vector<16xf32> to vector<1xf32>
    %squeeze3A_38 = vector.extract %slice3A_37[0] : f32 from vector<1xf32>
    %add3A_39 = arith.addf %add3A_36, %squeeze3A_38 : f32
    %slice3A_40 = vector.extract_strided_slice %scan3A_5 {offsets = [12], sizes = [1], strides = [1]} : vector<16xf32> to vector<1xf32>
    %squeeze3A_41 = vector.extract %slice3A_40[0] : f32 from vector<1xf32>
    %add3A_42 = arith.addf %add3A_39, %squeeze3A_41 : f32
    %slice3A_43 = vector.extract_strided_slice %scan3A_5 {offsets = [13], sizes = [1], strides = [1]} : vector<16xf32> to vector<1xf32>
    %squeeze3A_44 = vector.extract %slice3A_43[0] : f32 from vector<1xf32>
    %add3A_45 = arith.addf %add3A_42, %squeeze3A_44 : f32
    %slice3A_46 = vector.extract_strided_slice %scan3A_5 {offsets = [14], sizes = [1], strides = [1]} : vector<16xf32> to vector<1xf32>
    %squeeze3A_47 = vector.extract %slice3A_46[0] : f32 from vector<1xf32>
    %add3A_48 = arith.addf %add3A_45, %squeeze3A_47 : f32
    %slice3A_49 = vector.extract_strided_slice %scan3A_5 {offsets = [15], sizes = [1], strides = [1]} : vector<16xf32> to vector<1xf32>
    %squeeze3A_50 = vector.extract %slice3A_49[0] : f32 from vector<1xf32>
    %add3A_51 = arith.addf %add3A_48, %squeeze3A_50 : f32
    %broadcast_in_dim3A_52 = arith.constant 0.000000e+00 : f32
    %broadcast_in_dim3A_53 = vector.broadcast %broadcast_in_dim3A_52 : f32 to vector<16xf32>
    %scan3A_54 = arith.constant 0 : i32
    %scan3A_55 = arith.constant 256 : i32
    %scan3A_56 = arith.addi %scan3A_54, %scan3A_55 : i32
    %scan3A_57 = arith.constant 8 : i32
    %scan3A_58 = scf.for %scan3A_567 = %scan3A_54 to %scan3A_56 step %scan3A_57 iter_args(%scan3A_568 = %broadcast_in_dim3A_53) -> (vector<16xf32>)  : i32 {
      %mul3A_569 = arith.constant 16 : i32
      %mul3A_570 = arith.muli %scan3A_567, %mul3A_569 : i32
      %get3A = arith.index_cast %mul3A_570 : i32 to index
      %get3A_571 = tpu.vector_load %arg6[%get3A] {strides = array<i32>} : memref<4096xf32, #tpu.memory_space<vmem>>, vector<16xf32>,
      %get3A_572 = vector.shape_cast %get3A_571 : vector<16xf32> to vector<16xf32>
      %get3A_573 = arith.constant 1 : i32
      %get3A_574 = arith.index_cast %get3A_573 : i32 to index
      %get3A_575 = arith.index_cast %mul3A_570 : i32 to index
      %get3A_576 = tpu.vector_load %arg7[%get3A_574, %get3A_575] {strides = array<i32>} : memref<8x4096xf32, #tpu.memory_space<vmem>>, vector<1x16xf32>,
      %get3A_577 = vector.shape_cast %get3A_576 : vector<1x16xf32> to vector<16xf32>
      %mul3A_578 = arith.mulf %get3A_572, %get3A_577 : vector<16xf32>
      %add3A_579 = arith.addf %scan3A_568, %mul3A_578 : vector<16xf32>
      %scan3A_580 = arith.constant 1 : i32
      %scan3A_581 = arith.addi %scan3A_567, %scan3A_580 : i32
      %mul3A_582 = arith.constant 16 : i32
      %mul3A_583 = arith.muli %scan3A_581, %mul3A_582 : i32
      %get3A_584 = arith.index_cast %mul3A_583 : i32 to index
      %get3A_585 = tpu.vector_load %arg6[%get3A_584] {strides = array<i32>} : memref<4096xf32, #tpu.memory_space<vmem>>, vector<16xf32>,
      %get3A_586 = vector.shape_cast %get3A_585 : vector<16xf32> to vector<16xf32>
      %get3A_587 = arith.constant 1 : i32
      %get3A_588 = arith.index_cast %get3A_587 : i32 to index
      %get3A_589 = arith.index_cast %mul3A_583 : i32 to index
      %get3A_590 = tpu.vector_load %arg7[%get3A_588, %get3A_589] {strides = array<i32>} : memref<8x4096xf32, #tpu.memory_space<vmem>>, vector<1x16xf32>,
      %get3A_591 = vector.shape_cast %get3A_590 : vector<1x16xf32> to vector<16xf32>
      %mul3A_592 = arith.mulf %get3A_586, %get3A_591 : vector<16xf32>
      %add3A_593 = arith.addf %add3A_579, %mul3A_592 : vector<16xf32>
      %scan3A_594 = arith.constant 2 : i32
      %scan3A_595 = arith.addi %scan3A_567, %scan3A_594 : i32
      %mul3A_596 = arith.constant 16 : i32
      %mul3A_597 = arith.muli %scan3A_595, %mul3A_596 : i32
      %get3A_598 = arith.index_cast %mul3A_597 : i32 to index
      %get3A_599 = tpu.vector_load %arg6[%get3A_598] {strides = array<i32>} : memref<4096xf32, #tpu.memory_space<vmem>>, vector<16xf32>,
      %get3A_600 = vector.shape_cast %get3A_599 : vector<16xf32> to vector<16xf32>
      %get3A_601 = arith.constant 1 : i32
      %get3A_602 = arith.index_cast %get3A_601 : i32 to index
      %get3A_603 = arith.index_cast %mul3A_597 : i32 to index
      %get3A_604 = tpu.vector_load %arg7[%get3A_602, %get3A_603] {strides = array<i32>} : memref<8x4096xf32, #tpu.memory_space<vmem>>, vector<1x16xf32>,
      %get3A_605 = vector.shape_cast %get3A_604 : vector<1x16xf32> to vector<16xf32>
      %mul3A_606 = arith.mulf %get3A_600, %get3A_605 : vector<16xf32>
      %add3A_607 = arith.addf %add3A_593, %mul3A_606 : vector<16xf32>
      %scan3A_608 = arith.constant 3 : i32
      %scan3A_609 = arith.addi %scan3A_567, %scan3A_608 : i32
      %mul3A_610 = arith.constant 16 : i32
      %mul3A_611 = arith.muli %scan3A_609, %mul3A_610 : i32
      %get3A_612 = arith.index_cast %mul3A_611 : i32 to index
      %get3A_613 = tpu.vector_load %arg6[%get3A_612] {strides = array<i32>} : memref<4096xf32, #tpu.memory_space<vmem>>, vector<16xf32>,
      %get3A_614 = vector.shape_cast %get3A_613 : vector<16xf32> to vector<16xf32>
      %get3A_615 = arith.constant 1 : i32
      %get3A_616 = arith.index_cast %get3A_615 : i32 to index
      %get3A_617 = arith.index_cast %mul3A_611 : i32 to index
      %get3A_618 = tpu.vector_load %arg7[%get3A_616, %get3A_617] {strides = array<i32>} : memref<8x4096xf32, #tpu.memory_space<vmem>>, vector<1x16xf32>,
      %get3A_619 = vector.shape_cast %get3A_618 : vector<1x16xf32> to vector<16xf32>
      %mul3A_620 = arith.mulf %get3A_614, %get3A_619 : vector<16xf32>
      %add3A_621 = arith.addf %add3A_607, %mul3A_620 : vector<16xf32>
      %scan3A_622 = arith.constant 4 : i32
      %scan3A_623 = arith.addi %scan3A_567, %scan3A_622 : i32
      %mul3A_624 = arith.constant 16 : i32
      %mul3A_625 = arith.muli %scan3A_623, %mul3A_624 : i32
      %get3A_626 = arith.index_cast %mul3A_625 : i32 to index
      %get3A_627 = tpu.vector_load %arg6[%get3A_626] {strides = array<i32>} : memref<4096xf32, #tpu.memory_space<vmem>>, vector<16xf32>,
      %get3A_628 = vector.shape_cast %get3A_627 : vector<16xf32> to vector<16xf32>
      %get3A_629 = arith.constant 1 : i32
      %get3A_630 = arith.index_cast %get3A_629 : i32 to index
      %get3A_631 = arith.index_cast %mul3A_625 : i32 to index
      %get3A_632 = tpu.vector_load %arg7[%get3A_630, %get3A_631] {strides = array<i32>} : memref<8x4096xf32, #tpu.memory_space<vmem>>, vector<1x16xf32>,
      %get3A_633 = vector.shape_cast %get3A_632 : vector<1x16xf32> to vector<16xf32>
      %mul3A_634 = arith.mulf %get3A_628, %get3A_633 : vector<16xf32>
      %add3A_635 = arith.addf %add3A_621, %mul3A_634 : vector<16xf32>
      %scan3A_636 = arith.constant 5 : i32
      %scan3A_637 = arith.addi %scan3A_567, %scan3A_636 : i32
      %mul3A_638 = arith.constant 16 : i32
      %mul3A_639 = arith.muli %scan3A_637, %mul3A_638 : i32
      %get3A_640 = arith.index_cast %mul3A_639 : i32 to index
      %get3A_641 = tpu.vector_load %arg6[%get3A_640] {strides = array<i32>} : memref<4096xf32, #tpu.memory_space<vmem>>, vector<16xf32>,
      %get3A_642 = vector.shape_cast %get3A_641 : vector<16xf32> to vector<16xf32>
      %get3A_643 = arith.constant 1 : i32
      %get3A_644 = arith.index_cast %get3A_643 : i32 to index
      %get3A_645 = arith.index_cast %mul3A_639 : i32 to index
      %get3A_646 = tpu.vector_load %arg7[%get3A_644, %get3A_645] {strides = array<i32>} : memref<8x4096xf32, #tpu.memory_space<vmem>>, vector<1x16xf32>,
      %get3A_647 = vector.shape_cast %get3A_646 : vector<1x16xf32> to vector<16xf32>
      %mul3A_648 = arith.mulf %get3A_642, %get3A_647 : vector<16xf32>
      %add3A_649 = arith.addf %add3A_635, %mul3A_648 : vector<16xf32>
      %scan3A_650 = arith.constant 6 : i32
      %scan3A_651 = arith.addi %scan3A_567, %scan3A_650 : i32
      %mul3A_652 = arith.constant 16 : i32
      %mul3A_653 = arith.muli %scan3A_651, %mul3A_652 : i32
      %get3A_654 = arith.index_cast %mul3A_653 : i32 to index
      %get3A_655 = tpu.vector_load %arg6[%get3A_654] {strides = array<i32>} : memref<4096xf32, #tpu.memory_space<vmem>>, vector<16xf32>,
      %get3A_656 = vector.shape_cast %get3A_655 : vector<16xf32> to vector<16xf32>
      %get3A_657 = arith.constant 1 : i32
      %get3A_658 = arith.index_cast %get3A_657 : i32 to index
      %get3A_659 = arith.index_cast %mul3A_653 : i32 to index
      %get3A_660 = tpu.vector_load %arg7[%get3A_658, %get3A_659] {strides = array<i32>} : memref<8x4096xf32, #tpu.memory_space<vmem>>, vector<1x16xf32>,
      %get3A_661 = vector.shape_cast %get3A_660 : vector<1x16xf32> to vector<16xf32>
      %mul3A_662 = arith.mulf %get3A_656, %get3A_661 : vector<16xf32>
      %add3A_663 = arith.addf %add3A_649, %mul3A_662 : vector<16xf32>
      %scan3A_664 = arith.constant 7 : i32
      %scan3A_665 = arith.addi %scan3A_567, %scan3A_664 : i32
      %mul3A_666 = arith.constant 16 : i32
      %mul3A_667 = arith.muli %scan3A_665, %mul3A_666 : i32
      %get3A_668 = arith.index_cast %mul3A_667 : i32 to index
      %get3A_669 = tpu.vector_load %arg6[%get3A_668] {strides = array<i32>} : memref<4096xf32, #tpu.memory_space<vmem>>, vector<16xf32>,
      %get3A_670 = vector.shape_cast %get3A_669 : vector<16xf32> to vector<16xf32>
      %get3A_671 = arith.constant 1 : i32
      %get3A_672 = arith.index_cast %get3A_671 : i32 to index
      %get3A_673 = arith.index_cast %mul3A_667 : i32 to index
      %get3A_674 = tpu.vector_load %arg7[%get3A_672, %get3A_673] {strides = array<i32>} : memref<8x4096xf32, #tpu.memory_space<vmem>>, vector<1x16xf32>,
      %get3A_675 = vector.shape_cast %get3A_674 : vector<1x16xf32> to vector<16xf32>
      %mul3A_676 = arith.mulf %get3A_670, %get3A_675 : vector<16xf32>
      %add3A_677 = arith.addf %add3A_663, %mul3A_676 : vector<16xf32>
      scf.yield %add3A_677 : vector<16xf32>
    }
    %scan3A_59 = arith.constant 256 : i32
    %slice3A_60 = vector.extract_strided_slice %scan3A_58 {offsets = [0], sizes = [1], strides = [1]} : vector<16xf32> to vector<1xf32>
    %squeeze3A_61 = vector.extract %slice3A_60[0] : f32 from vector<1xf32>
    %slice3A_62 = vector.extract_strided_slice %scan3A_58 {offsets = [1], sizes = [1], strides = [1]} : vector<16xf32> to vector<1xf32>
    %squeeze3A_63 = vector.extract %slice3A_62[0] : f32 from vector<1xf32>
    %add3A_64 = arith.addf %squeeze3A_61, %squeeze3A_63 : f32
    %slice3A_65 = vector.extract_strided_slice %scan3A_58 {offsets = [2], sizes = [1], strides = [1]} : vector<16xf32> to vector<1xf32>
    %squeeze3A_66 = vector.extract %slice3A_65[0] : f32 from vector<1xf32>
    %add3A_67 = arith.addf %add3A_64, %squeeze3A_66 : f32
    %slice3A_68 = vector.extract_strided_slice %scan3A_58 {offsets = [3], sizes = [1], strides = [1]} : vector<16xf32> to vector<1xf32>
    %squeeze3A_69 = vector.extract %slice3A_68[0] : f32 from vector<1xf32>
    %add3A_70 = arith.addf %add3A_67, %squeeze3A_69 : f32
    %slice3A_71 = vector.extract_strided_slice %scan3A_58 {offsets = [4], sizes = [1], strides = [1]} : vector<16xf32> to vector<1xf32>
    %squeeze3A_72 = vector.extract %slice3A_71[0] : f32 from vector<1xf32>
    %add3A_73 = arith.addf %add3A_70, %squeeze3A_72 : f32
    %slice3A_74 = vector.extract_strided_slice %scan3A_58 {offsets = [5], sizes = [1], strides = [1]} : vector<16xf32> to vector<1xf32>
    %squeeze3A_75 = vector.extract %slice3A_74[0] : f32 from vector<1xf32>
    %add3A_76 = arith.addf %add3A_73, %squeeze3A_75 : f32
    %slice3A_77 = vector.extract_strided_slice %scan3A_58 {offsets = [6], sizes = [1], strides = [1]} : vector<16xf32> to vector<1xf32>
    %squeeze3A_78 = vector.extract %slice3A_77[0] : f32 from vector<1xf32>
    %add3A_79 = arith.addf %add3A_76, %squeeze3A_78 : f32
    %slice3A_80 = vector.extract_strided_slice %scan3A_58 {offsets = [7], sizes = [1], strides = [1]} : vector<16xf32> to vector<1xf32>
    %squeeze3A_81 = vector.extract %slice3A_80[0] : f32 from vector<1xf32>
    %add3A_82 = arith.addf %add3A_79, %squeeze3A_81 : f32
    %slice3A_83 = vector.extract_strided_slice %scan3A_58 {offsets = [8], sizes = [1], strides = [1]} : vector<16xf32> to vector<1xf32>
    %squeeze3A_84 = vector.extract %slice3A_83[0] : f32 from vector<1xf32>
    %add3A_85 = arith.addf %add3A_82, %squeeze3A_84 : f32
    %slice3A_86 = vector.extract_strided_slice %scan3A_58 {offsets = [9], sizes = [1], strides = [1]} : vector<16xf32> to vector<1xf32>
    %squeeze3A_87 = vector.extract %slice3A_86[0] : f32 from vector<1xf32>
    %add3A_88 = arith.addf %add3A_85, %squeeze3A_87 : f32
    %slice3A_89 = vector.extract_strided_slice %scan3A_58 {offsets = [10], sizes = [1], strides = [1]} : vector<16xf32> to vector<1xf32>
    %squeeze3A_90 = vector.extract %slice3A_89[0] : f32 from vector<1xf32>
    %add3A_91 = arith.addf %add3A_88, %squeeze3A_90 : f32
    %slice3A_92 = vector.extract_strided_slice %scan3A_58 {offsets = [11], sizes = [1], strides = [1]} : vector<16xf32> to vector<1xf32>
    %squeeze3A_93 = vector.extract %slice3A_92[0] : f32 from vector<1xf32>
    %add3A_94 = arith.addf %add3A_91, %squeeze3A_93 : f32
    %slice3A_95 = vector.extract_strided_slice %scan3A_58 {offsets = [12], sizes = [1], strides = [1]} : vector<16xf32> to vector<1xf32>
    %squeeze3A_96 = vector.extract %slice3A_95[0] : f32 from vector<1xf32>
    %add3A_97 = arith.addf %add3A_94, %squeeze3A_96 : f32
    %slice3A_98 = vector.extract_strided_slice %scan3A_58 {offsets = [13], sizes = [1], strides = [1]} : vector<16xf32> to vector<1xf32>
    %squeeze3A_99 = vector.extract %slice3A_98[0] : f32 from vector<1xf32>
    %add3A_100 = arith.addf %add3A_97, %squeeze3A_99 : f32
    %slice3A_101 = vector.extract_strided_slice %scan3A_58 {offsets = [14], sizes = [1], strides = [1]} : vector<16xf32> to vector<1xf32>
    %squeeze3A_102 = vector.extract %slice3A_101[0] : f32 from vector<1xf32>
    %add3A_103 = arith.addf %add3A_100, %squeeze3A_102 : f32
    %slice3A_104 = vector.extract_strided_slice %scan3A_58 {offsets = [15], sizes = [1], strides = [1]} : vector<16xf32> to vector<1xf32>
    %squeeze3A_105 = vector.extract %slice3A_104[0] : f32 from vector<1xf32>
    %add3A_106 = arith.addf %add3A_103, %squeeze3A_105 : f32
    %broadcast_in_dim3A_107 = arith.constant 0.000000e+00 : f32
    %broadcast_in_dim3A_108 = vector.broadcast %broadcast_in_dim3A_107 : f32 to vector<16xf32>
    %scan3A_109 = arith.constant 0 : i32
    %scan3A_110 = arith.constant 256 : i32
    %scan3A_111 = arith.addi %scan3A_109, %scan3A_110 : i32
    %scan3A_112 = arith.constant 8 : i32
    %scan3A_113 = scf.for %scan3A_567 = %scan3A_109 to %scan3A_111 step %scan3A_112 iter_args(%scan3A_568 = %broadcast_in_dim3A_108) -> (vector<16xf32>)  : i32 {
      %mul3A_569 = arith.constant 16 : i32
      %mul3A_570 = arith.muli %scan3A_567, %mul3A_569 : i32
      %get3A = arith.index_cast %mul3A_570 : i32 to index
      %get3A_571 = tpu.vector_load %arg6[%get3A] {strides = array<i32>} : memref<4096xf32, #tpu.memory_space<vmem>>, vector<16xf32>,
      %get3A_572 = vector.shape_cast %get3A_571 : vector<16xf32> to vector<16xf32>
      %get3A_573 = arith.constant 2 : i32
      %get3A_574 = arith.index_cast %get3A_573 : i32 to index
      %get3A_575 = arith.index_cast %mul3A_570 : i32 to index
      %get3A_576 = tpu.vector_load %arg7[%get3A_574, %get3A_575] {strides = array<i32>} : memref<8x4096xf32, #tpu.memory_space<vmem>>, vector<1x16xf32>,
      %get3A_577 = vector.shape_cast %get3A_576 : vector<1x16xf32> to vector<16xf32>
      %mul3A_578 = arith.mulf %get3A_572, %get3A_577 : vector<16xf32>
      %add3A_579 = arith.addf %scan3A_568, %mul3A_578 : vector<16xf32>
      %scan3A_580 = arith.constant 1 : i32
      %scan3A_581 = arith.addi %scan3A_567, %scan3A_580 : i32
      %mul3A_582 = arith.constant 16 : i32
      %mul3A_583 = arith.muli %scan3A_581, %mul3A_582 : i32
      %get3A_584 = arith.index_cast %mul3A_583 : i32 to index
      %get3A_585 = tpu.vector_load %arg6[%get3A_584] {strides = array<i32>} : memref<4096xf32, #tpu.memory_space<vmem>>, vector<16xf32>,
      %get3A_586 = vector.shape_cast %get3A_585 : vector<16xf32> to vector<16xf32>
      %get3A_587 = arith.constant 2 : i32
      %get3A_588 = arith.index_cast %get3A_587 : i32 to index
      %get3A_589 = arith.index_cast %mul3A_583 : i32 to index
      %get3A_590 = tpu.vector_load %arg7[%get3A_588, %get3A_589] {strides = array<i32>} : memref<8x4096xf32, #tpu.memory_space<vmem>>, vector<1x16xf32>,
      %get3A_591 = vector.shape_cast %get3A_590 : vector<1x16xf32> to vector<16xf32>
      %mul3A_592 = arith.mulf %get3A_586, %get3A_591 : vector<16xf32>
      %add3A_593 = arith.addf %add3A_579, %mul3A_592 : vector<16xf32>
      %scan3A_594 = arith.constant 2 : i32
      %scan3A_595 = arith.addi %scan3A_567, %scan3A_594 : i32
      %mul3A_596 = arith.constant 16 : i32
      %mul3A_597 = arith.muli %scan3A_595, %mul3A_596 : i32
      %get3A_598 = arith.index_cast %mul3A_597 : i32 to index
      %get3A_599 = tpu.vector_load %arg6[%get3A_598] {strides = array<i32>} : memref<4096xf32, #tpu.memory_space<vmem>>, vector<16xf32>,
      %get3A_600 = vector.shape_cast %get3A_599 : vector<16xf32> to vector<16xf32>
      %get3A_601 = arith.constant 2 : i32
      %get3A_602 = arith.index_cast %get3A_601 : i32 to index
      %get3A_603 = arith.index_cast %mul3A_597 : i32 to index
      %get3A_604 = tpu.vector_load %arg7[%get3A_602, %get3A_603] {strides = array<i32>} : memref<8x4096xf32, #tpu.memory_space<vmem>>, vector<1x16xf32>,
      %get3A_605 = vector.shape_cast %get3A_604 : vector<1x16xf32> to vector<16xf32>
      %mul3A_606 = arith.mulf %get3A_600, %get3A_605 : vector<16xf32>
      %add3A_607 = arith.addf %add3A_593, %mul3A_606 : vector<16xf32>
      %scan3A_608 = arith.constant 3 : i32
      %scan3A_609 = arith.addi %scan3A_567, %scan3A_608 : i32
      %mul3A_610 = arith.constant 16 : i32
      %mul3A_611 = arith.muli %scan3A_609, %mul3A_610 : i32
      %get3A_612 = arith.index_cast %mul3A_611 : i32 to index
      %get3A_613 = tpu.vector_load %arg6[%get3A_612] {strides = array<i32>} : memref<4096xf32, #tpu.memory_space<vmem>>, vector<16xf32>,
      %get3A_614 = vector.shape_cast %get3A_613 : vector<16xf32> to vector<16xf32>
      %get3A_615 = arith.constant 2 : i32
      %get3A_616 = arith.index_cast %get3A_615 : i32 to index
      %get3A_617 = arith.index_cast %mul3A_611 : i32 to index
      %get3A_618 = tpu.vector_load %arg7[%get3A_616, %get3A_617] {strides = array<i32>} : memref<8x4096xf32, #tpu.memory_space<vmem>>, vector<1x16xf32>,
      %get3A_619 = vector.shape_cast %get3A_618 : vector<1x16xf32> to vector<16xf32>
      %mul3A_620 = arith.mulf %get3A_614, %get3A_619 : vector<16xf32>
      %add3A_621 = arith.addf %add3A_607, %mul3A_620 : vector<16xf32>
      %scan3A_622 = arith.constant 4 : i32
      %scan3A_623 = arith.addi %scan3A_567, %scan3A_622 : i32
      %mul3A_624 = arith.constant 16 : i32
      %mul3A_625 = arith.muli %scan3A_623, %mul3A_624 : i32
      %get3A_626 = arith.index_cast %mul3A_625 : i32 to index
      %get3A_627 = tpu.vector_load %arg6[%get3A_626] {strides = array<i32>} : memref<4096xf32, #tpu.memory_space<vmem>>, vector<16xf32>,
      %get3A_628 = vector.shape_cast %get3A_627 : vector<16xf32> to vector<16xf32>
      %get3A_629 = arith.constant 2 : i32
      %get3A_630 = arith.index_cast %get3A_629 : i32 to index
      %get3A_631 = arith.index_cast %mul3A_625 : i32 to index
      %get3A_632 = tpu.vector_load %arg7[%get3A_630, %get3A_631] {strides = array<i32>} : memref<8x4096xf32, #tpu.memory_space<vmem>>, vector<1x16xf32>,
      %get3A_633 = vector.shape_cast %get3A_632 : vector<1x16xf32> to vector<16xf32>
      %mul3A_634 = arith.mulf %get3A_628, %get3A_633 : vector<16xf32>
      %add3A_635 = arith.addf %add3A_621, %mul3A_634 : vector<16xf32>
      %scan3A_636 = arith.constant 5 : i32
      %scan3A_637 = arith.addi %scan3A_567, %scan3A_636 : i32
      %mul3A_638 = arith.constant 16 : i32
      %mul3A_639 = arith.muli %scan3A_637, %mul3A_638 : i32
      %get3A_640 = arith.index_cast %mul3A_639 : i32 to index
      %get3A_641 = tpu.vector_load %arg6[%get3A_640] {strides = array<i32>} : memref<4096xf32, #tpu.memory_space<vmem>>, vector<16xf32>,
      %get3A_642 = vector.shape_cast %get3A_641 : vector<16xf32> to vector<16xf32>
      %get3A_643 = arith.constant 2 : i32
      %get3A_644 = arith.index_cast %get3A_643 : i32 to index
      %get3A_645 = arith.index_cast %mul3A_639 : i32 to index
      %get3A_646 = tpu.vector_load %arg7[%get3A_644, %get3A_645] {strides = array<i32>} : memref<8x4096xf32, #tpu.memory_space<vmem>>, vector<1x16xf32>,
      %get3A_647 = vector.shape_cast %get3A_646 : vector<1x16xf32> to vector<16xf32>
      %mul3A_648 = arith.mulf %get3A_642, %get3A_647 : vector<16xf32>
      %add3A_649 = arith.addf %add3A_635, %mul3A_648 : vector<16xf32>
      %scan3A_650 = arith.constant 6 : i32
      %scan3A_651 = arith.addi %scan3A_567, %scan3A_650 : i32
      %mul3A_652 = arith.constant 16 : i32
      %mul3A_653 = arith.muli %scan3A_651, %mul3A_652 : i32
      %get3A_654 = arith.index_cast %mul3A_653 : i32 to index
      %get3A_655 = tpu.vector_load %arg6[%get3A_654] {strides = array<i32>} : memref<4096xf32, #tpu.memory_space<vmem>>, vector<16xf32>,
      %get3A_656 = vector.shape_cast %get3A_655 : vector<16xf32> to vector<16xf32>
      %get3A_657 = arith.constant 2 : i32
      %get3A_658 = arith.index_cast %get3A_657 : i32 to index
      %get3A_659 = arith.index_cast %mul3A_653 : i32 to index
      %get3A_660 = tpu.vector_load %arg7[%get3A_658, %get3A_659] {strides = array<i32>} : memref<8x4096xf32, #tpu.memory_space<vmem>>, vector<1x16xf32>,
      %get3A_661 = vector.shape_cast %get3A_660 : vector<1x16xf32> to vector<16xf32>
      %mul3A_662 = arith.mulf %get3A_656, %get3A_661 : vector<16xf32>
      %add3A_663 = arith.addf %add3A_649, %mul3A_662 : vector<16xf32>
      %scan3A_664 = arith.constant 7 : i32
      %scan3A_665 = arith.addi %scan3A_567, %scan3A_664 : i32
      %mul3A_666 = arith.constant 16 : i32
      %mul3A_667 = arith.muli %scan3A_665, %mul3A_666 : i32
      %get3A_668 = arith.index_cast %mul3A_667 : i32 to index
      %get3A_669 = tpu.vector_load %arg6[%get3A_668] {strides = array<i32>} : memref<4096xf32, #tpu.memory_space<vmem>>, vector<16xf32>,
      %get3A_670 = vector.shape_cast %get3A_669 : vector<16xf32> to vector<16xf32>
      %get3A_671 = arith.constant 2 : i32
      %get3A_672 = arith.index_cast %get3A_671 : i32 to index
      %get3A_673 = arith.index_cast %mul3A_667 : i32 to index
      %get3A_674 = tpu.vector_load %arg7[%get3A_672, %get3A_673] {strides = array<i32>} : memref<8x4096xf32, #tpu.memory_space<vmem>>, vector<1x16xf32>,
      %get3A_675 = vector.shape_cast %get3A_674 : vector<1x16xf32> to vector<16xf32>
      %mul3A_676 = arith.mulf %get3A_670, %get3A_675 : vector<16xf32>
      %add3A_677 = arith.addf %add3A_663, %mul3A_676 : vector<16xf32>
      scf.yield %add3A_677 : vector<16xf32>
    }
    %scan3A_114 = arith.constant 256 : i32
    %slice3A_115 = vector.extract_strided_slice %scan3A_113 {offsets = [0], sizes = [1], strides = [1]} : vector<16xf32> to vector<1xf32>
    %squeeze3A_116 = vector.extract %slice3A_115[0] : f32 from vector<1xf32>
    %slice3A_117 = vector.extract_strided_slice %scan3A_113 {offsets = [1], sizes = [1], strides = [1]} : vector<16xf32> to vector<1xf32>
    %squeeze3A_118 = vector.extract %slice3A_117[0] : f32 from vector<1xf32>
    %add3A_119 = arith.addf %squeeze3A_116, %squeeze3A_118 : f32
    %slice3A_120 = vector.extract_strided_slice %scan3A_113 {offsets = [2], sizes = [1], strides = [1]} : vector<16xf32> to vector<1xf32>
    %squeeze3A_121 = vector.extract %slice3A_120[0] : f32 from vector<1xf32>
    %add3A_122 = arith.addf %add3A_119, %squeeze3A_121 : f32
    %slice3A_123 = vector.extract_strided_slice %scan3A_113 {offsets = [3], sizes = [1], strides = [1]} : vector<16xf32> to vector<1xf32>
    %squeeze3A_124 = vector.extract %slice3A_123[0] : f32 from vector<1xf32>
    %add3A_125 = arith.addf %add3A_122, %squeeze3A_124 : f32
    %slice3A_126 = vector.extract_strided_slice %scan3A_113 {offsets = [4], sizes = [1], strides = [1]} : vector<16xf32> to vector<1xf32>
    %squeeze3A_127 = vector.extract %slice3A_126[0] : f32 from vector<1xf32>
    %add3A_128 = arith.addf %add3A_125, %squeeze3A_127 : f32
    %slice3A_129 = vector.extract_strided_slice %scan3A_113 {offsets = [5], sizes = [1], strides = [1]} : vector<16xf32> to vector<1xf32>
    %squeeze3A_130 = vector.extract %slice3A_129[0] : f32 from vector<1xf32>
    %add3A_131 = arith.addf %add3A_128, %squeeze3A_130 : f32
    %slice3A_132 = vector.extract_strided_slice %scan3A_113 {offsets = [6], sizes = [1], strides = [1]} : vector<16xf32> to vector<1xf32>
    %squeeze3A_133 = vector.extract %slice3A_132[0] : f32 from vector<1xf32>
    %add3A_134 = arith.addf %add3A_131, %squeeze3A_133 : f32
    %slice3A_135 = vector.extract_strided_slice %scan3A_113 {offsets = [7], sizes = [1], strides = [1]} : vector<16xf32> to vector<1xf32>
    %squeeze3A_136 = vector.extract %slice3A_135[0] : f32 from vector<1xf32>
    %add3A_137 = arith.addf %add3A_134, %squeeze3A_136 : f32
    %slice3A_138 = vector.extract_strided_slice %scan3A_113 {offsets = [8], sizes = [1], strides = [1]} : vector<16xf32> to vector<1xf32>
    %squeeze3A_139 = vector.extract %slice3A_138[0] : f32 from vector<1xf32>
    %add3A_140 = arith.addf %add3A_137, %squeeze3A_139 : f32
    %slice3A_141 = vector.extract_strided_slice %scan3A_113 {offsets = [9], sizes = [1], strides = [1]} : vector<16xf32> to vector<1xf32>
    %squeeze3A_142 = vector.extract %slice3A_141[0] : f32 from vector<1xf32>
    %add3A_143 = arith.addf %add3A_140, %squeeze3A_142 : f32
    %slice3A_144 = vector.extract_strided_slice %scan3A_113 {offsets = [10], sizes = [1], strides = [1]} : vector<16xf32> to vector<1xf32>
    %squeeze3A_145 = vector.extract %slice3A_144[0] : f32 from vector<1xf32>
    %add3A_146 = arith.addf %add3A_143, %squeeze3A_145 : f32
    %slice3A_147 = vector.extract_strided_slice %scan3A_113 {offsets = [11], sizes = [1], strides = [1]} : vector<16xf32> to vector<1xf32>
    %squeeze3A_148 = vector.extract %slice3A_147[0] : f32 from vector<1xf32>
    %add3A_149 = arith.addf %add3A_146, %squeeze3A_148 : f32
    %slice3A_150 = vector.extract_strided_slice %scan3A_113 {offsets = [12], sizes = [1], strides = [1]} : vector<16xf32> to vector<1xf32>
    %squeeze3A_151 = vector.extract %slice3A_150[0] : f32 from vector<1xf32>
    %add3A_152 = arith.addf %add3A_149, %squeeze3A_151 : f32
    %slice3A_153 = vector.extract_strided_slice %scan3A_113 {offsets = [13], sizes = [1], strides = [1]} : vector<16xf32> to vector<1xf32>
    %squeeze3A_154 = vector.extract %slice3A_153[0] : f32 from vector<1xf32>
    %add3A_155 = arith.addf %add3A_152, %squeeze3A_154 : f32
    %slice3A_156 = vector.extract_strided_slice %scan3A_113 {offsets = [14], sizes = [1], strides = [1]} : vector<16xf32> to vector<1xf32>
    %squeeze3A_157 = vector.extract %slice3A_156[0] : f32 from vector<1xf32>
    %add3A_158 = arith.addf %add3A_155, %squeeze3A_157 : f32
    %slice3A_159 = vector.extract_strided_slice %scan3A_113 {offsets = [15], sizes = [1], strides = [1]} : vector<16xf32> to vector<1xf32>
    %squeeze3A_160 = vector.extract %slice3A_159[0] : f32 from vector<1xf32>
    %add3A_161 = arith.addf %add3A_158, %squeeze3A_160 : f32
    %broadcast_in_dim3A_162 = arith.constant 0.000000e+00 : f32
    %broadcast_in_dim3A_163 = vector.broadcast %broadcast_in_dim3A_162 : f32 to vector<16xf32>
    %scan3A_164 = arith.constant 0 : i32
    %scan3A_165 = arith.constant 256 : i32
    %scan3A_166 = arith.addi %scan3A_164, %scan3A_165 : i32
    %scan3A_167 = arith.constant 8 : i32
    %scan3A_168 = scf.for %scan3A_567 = %scan3A_164 to %scan3A_166 step %scan3A_167 iter_args(%scan3A_568 = %broadcast_in_dim3A_163) -> (vector<16xf32>)  : i32 {
      %mul3A_569 = arith.constant 16 : i32
      %mul3A_570 = arith.muli %scan3A_567, %mul3A_569 : i32
      %get3A = arith.index_cast %mul3A_570 : i32 to index
      %get3A_571 = tpu.vector_load %arg6[%get3A] {strides = array<i32>} : memref<4096xf32, #tpu.memory_space<vmem>>, vector<16xf32>,
      %get3A_572 = vector.shape_cast %get3A_571 : vector<16xf32> to vector<16xf32>
      %get3A_573 = arith.constant 3 : i32
      %get3A_574 = arith.index_cast %get3A_573 : i32 to index
      %get3A_575 = arith.index_cast %mul3A_570 : i32 to index
      %get3A_576 = tpu.vector_load %arg7[%get3A_574, %get3A_575] {strides = array<i32>} : memref<8x4096xf32, #tpu.memory_space<vmem>>, vector<1x16xf32>,
      %get3A_577 = vector.shape_cast %get3A_576 : vector<1x16xf32> to vector<16xf32>
      %mul3A_578 = arith.mulf %get3A_572, %get3A_577 : vector<16xf32>
      %add3A_579 = arith.addf %scan3A_568, %mul3A_578 : vector<16xf32>
      %scan3A_580 = arith.constant 1 : i32
      %scan3A_581 = arith.addi %scan3A_567, %scan3A_580 : i32
      %mul3A_582 = arith.constant 16 : i32
      %mul3A_583 = arith.muli %scan3A_581, %mul3A_582 : i32
      %get3A_584 = arith.index_cast %mul3A_583 : i32 to index
      %get3A_585 = tpu.vector_load %arg6[%get3A_584] {strides = array<i32>} : memref<4096xf32, #tpu.memory_space<vmem>>, vector<16xf32>,
      %get3A_586 = vector.shape_cast %get3A_585 : vector<16xf32> to vector<16xf32>
      %get3A_587 = arith.constant 3 : i32
      %get3A_588 = arith.index_cast %get3A_587 : i32 to index
      %get3A_589 = arith.index_cast %mul3A_583 : i32 to index
      %get3A_590 = tpu.vector_load %arg7[%get3A_588, %get3A_589] {strides = array<i32>} : memref<8x4096xf32, #tpu.memory_space<vmem>>, vector<1x16xf32>,
      %get3A_591 = vector.shape_cast %get3A_590 : vector<1x16xf32> to vector<16xf32>
      %mul3A_592 = arith.mulf %get3A_586, %get3A_591 : vector<16xf32>
      %add3A_593 = arith.addf %add3A_579, %mul3A_592 : vector<16xf32>
      %scan3A_594 = arith.constant 2 : i32
      %scan3A_595 = arith.addi %scan3A_567, %scan3A_594 : i32
      %mul3A_596 = arith.constant 16 : i32
      %mul3A_597 = arith.muli %scan3A_595, %mul3A_596 : i32
      %get3A_598 = arith.index_cast %mul3A_597 : i32 to index
      %get3A_599 = tpu.vector_load %arg6[%get3A_598] {strides = array<i32>} : memref<4096xf32, #tpu.memory_space<vmem>>, vector<16xf32>,
      %get3A_600 = vector.shape_cast %get3A_599 : vector<16xf32> to vector<16xf32>
      %get3A_601 = arith.constant 3 : i32
      %get3A_602 = arith.index_cast %get3A_601 : i32 to index
      %get3A_603 = arith.index_cast %mul3A_597 : i32 to index
      %get3A_604 = tpu.vector_load %arg7[%get3A_602, %get3A_603] {strides = array<i32>} : memref<8x4096xf32, #tpu.memory_space<vmem>>, vector<1x16xf32>,
      %get3A_605 = vector.shape_cast %get3A_604 : vector<1x16xf32> to vector<16xf32>
      %mul3A_606 = arith.mulf %get3A_600, %get3A_605 : vector<16xf32>
      %add3A_607 = arith.addf %add3A_593, %mul3A_606 : vector<16xf32>
      %scan3A_608 = arith.constant 3 : i32
      %scan3A_609 = arith.addi %scan3A_567, %scan3A_608 : i32
      %mul3A_610 = arith.constant 16 : i32
      %mul3A_611 = arith.muli %scan3A_609, %mul3A_610 : i32
      %get3A_612 = arith.index_cast %mul3A_611 : i32 to index
      %get3A_613 = tpu.vector_load %arg6[%get3A_612] {strides = array<i32>} : memref<4096xf32, #tpu.memory_space<vmem>>, vector<16xf32>,
      %get3A_614 = vector.shape_cast %get3A_613 : vector<16xf32> to vector<16xf32>
      %get3A_615 = arith.constant 3 : i32
      %get3A_616 = arith.index_cast %get3A_615 : i32 to index
      %get3A_617 = arith.index_cast %mul3A_611 : i32 to index
      %get3A_618 = tpu.vector_load %arg7[%get3A_616, %get3A_617] {strides = array<i32>} : memref<8x4096xf32, #tpu.memory_space<vmem>>, vector<1x16xf32>,
      %get3A_619 = vector.shape_cast %get3A_618 : vector<1x16xf32> to vector<16xf32>
      %mul3A_620 = arith.mulf %get3A_614, %get3A_619 : vector<16xf32>
      %add3A_621 = arith.addf %add3A_607, %mul3A_620 : vector<16xf32>
      %scan3A_622 = arith.constant 4 : i32
      %scan3A_623 = arith.addi %scan3A_567, %scan3A_622 : i32
      %mul3A_624 = arith.constant 16 : i32
      %mul3A_625 = arith.muli %scan3A_623, %mul3A_624 : i32
      %get3A_626 = arith.index_cast %mul3A_625 : i32 to index
      %get3A_627 = tpu.vector_load %arg6[%get3A_626] {strides = array<i32>} : memref<4096xf32, #tpu.memory_space<vmem>>, vector<16xf32>,
      %get3A_628 = vector.shape_cast %get3A_627 : vector<16xf32> to vector<16xf32>
      %get3A_629 = arith.constant 3 : i32
      %get3A_630 = arith.index_cast %get3A_629 : i32 to index
      %get3A_631 = arith.index_cast %mul3A_625 : i32 to index
      %get3A_632 = tpu.vector_load %arg7[%get3A_630, %get3A_631] {strides = array<i32>} : memref<8x4096xf32, #tpu.memory_space<vmem>>, vector<1x16xf32>,
      %get3A_633 = vector.shape_cast %get3A_632 : vector<1x16xf32> to vector<16xf32>
      %mul3A_634 = arith.mulf %get3A_628, %get3A_633 : vector<16xf32>
      %add3A_635 = arith.addf %add3A_621, %mul3A_634 : vector<16xf32>
      %scan3A_636 = arith.constant 5 : i32
      %scan3A_637 = arith.addi %scan3A_567, %scan3A_636 : i32
      %mul3A_638 = arith.constant 16 : i32
      %mul3A_639 = arith.muli %scan3A_637, %mul3A_638 : i32
      %get3A_640 = arith.index_cast %mul3A_639 : i32 to index
      %get3A_641 = tpu.vector_load %arg6[%get3A_640] {strides = array<i32>} : memref<4096xf32, #tpu.memory_space<vmem>>, vector<16xf32>,
      %get3A_642 = vector.shape_cast %get3A_641 : vector<16xf32> to vector<16xf32>
      %get3A_643 = arith.constant 3 : i32
      %get3A_644 = arith.index_cast %get3A_643 : i32 to index
      %get3A_645 = arith.index_cast %mul3A_639 : i32 to index
      %get3A_646 = tpu.vector_load %arg7[%get3A_644, %get3A_645] {strides = array<i32>} : memref<8x4096xf32, #tpu.memory_space<vmem>>, vector<1x16xf32>,
      %get3A_647 = vector.shape_cast %get3A_646 : vector<1x16xf32> to vector<16xf32>
      %mul3A_648 = arith.mulf %get3A_642, %get3A_647 : vector<16xf32>
      %add3A_649 = arith.addf %add3A_635, %mul3A_648 : vector<16xf32>
      %scan3A_650 = arith.constant 6 : i32
      %scan3A_651 = arith.addi %scan3A_567, %scan3A_650 : i32
      %mul3A_652 = arith.constant 16 : i32
      %mul3A_653 = arith.muli %scan3A_651, %mul3A_652 : i32
      %get3A_654 = arith.index_cast %mul3A_653 : i32 to index
      %get3A_655 = tpu.vector_load %arg6[%get3A_654] {strides = array<i32>} : memref<4096xf32, #tpu.memory_space<vmem>>, vector<16xf32>,
      %get3A_656 = vector.shape_cast %get3A_655 : vector<16xf32> to vector<16xf32>
      %get3A_657 = arith.constant 3 : i32
      %get3A_658 = arith.index_cast %get3A_657 : i32 to index
      %get3A_659 = arith.index_cast %mul3A_653 : i32 to index
      %get3A_660 = tpu.vector_load %arg7[%get3A_658, %get3A_659] {strides = array<i32>} : memref<8x4096xf32, #tpu.memory_space<vmem>>, vector<1x16xf32>,
      %get3A_661 = vector.shape_cast %get3A_660 : vector<1x16xf32> to vector<16xf32>
      %mul3A_662 = arith.mulf %get3A_656, %get3A_661 : vector<16xf32>
      %add3A_663 = arith.addf %add3A_649, %mul3A_662 : vector<16xf32>
      %scan3A_664 = arith.constant 7 : i32
      %scan3A_665 = arith.addi %scan3A_567, %scan3A_664 : i32
      %mul3A_666 = arith.constant 16 : i32
      %mul3A_667 = arith.muli %scan3A_665, %mul3A_666 : i32
      %get3A_668 = arith.index_cast %mul3A_667 : i32 to index
      %get3A_669 = tpu.vector_load %arg6[%get3A_668] {strides = array<i32>} : memref<4096xf32, #tpu.memory_space<vmem>>, vector<16xf32>,
      %get3A_670 = vector.shape_cast %get3A_669 : vector<16xf32> to vector<16xf32>
      %get3A_671 = arith.constant 3 : i32
      %get3A_672 = arith.index_cast %get3A_671 : i32 to index
      %get3A_673 = arith.index_cast %mul3A_667 : i32 to index
      %get3A_674 = tpu.vector_load %arg7[%get3A_672, %get3A_673] {strides = array<i32>} : memref<8x4096xf32, #tpu.memory_space<vmem>>, vector<1x16xf32>,
      %get3A_675 = vector.shape_cast %get3A_674 : vector<1x16xf32> to vector<16xf32>
      %mul3A_676 = arith.mulf %get3A_670, %get3A_675 : vector<16xf32>
      %add3A_677 = arith.addf %add3A_663, %mul3A_676 : vector<16xf32>
      scf.yield %add3A_677 : vector<16xf32>
    }
    %scan3A_169 = arith.constant 256 : i32
    %slice3A_170 = vector.extract_strided_slice %scan3A_168 {offsets = [0], sizes = [1], strides = [1]} : vector<16xf32> to vector<1xf32>
    %squeeze3A_171 = vector.extract %slice3A_170[0] : f32 from vector<1xf32>
    %slice3A_172 = vector.extract_strided_slice %scan3A_168 {offsets = [1], sizes = [1], strides = [1]} : vector<16xf32> to vector<1xf32>
    %squeeze3A_173 = vector.extract %slice3A_172[0] : f32 from vector<1xf32>
    %add3A_174 = arith.addf %squeeze3A_171, %squeeze3A_173 : f32
    %slice3A_175 = vector.extract_strided_slice %scan3A_168 {offsets = [2], sizes = [1], strides = [1]} : vector<16xf32> to vector<1xf32>
    %squeeze3A_176 = vector.extract %slice3A_175[0] : f32 from vector<1xf32>
    %add3A_177 = arith.addf %add3A_174, %squeeze3A_176 : f32
    %slice3A_178 = vector.extract_strided_slice %scan3A_168 {offsets = [3], sizes = [1], strides = [1]} : vector<16xf32> to vector<1xf32>
    %squeeze3A_179 = vector.extract %slice3A_178[0] : f32 from vector<1xf32>
    %add3A_180 = arith.addf %add3A_177, %squeeze3A_179 : f32
    %slice3A_181 = vector.extract_strided_slice %scan3A_168 {offsets = [4], sizes = [1], strides = [1]} : vector<16xf32> to vector<1xf32>
    %squeeze3A_182 = vector.extract %slice3A_181[0] : f32 from vector<1xf32>
    %add3A_183 = arith.addf %add3A_180, %squeeze3A_182 : f32
    %slice3A_184 = vector.extract_strided_slice %scan3A_168 {offsets = [5], sizes = [1], strides = [1]} : vector<16xf32> to vector<1xf32>
    %squeeze3A_185 = vector.extract %slice3A_184[0] : f32 from vector<1xf32>
    %add3A_186 = arith.addf %add3A_183, %squeeze3A_185 : f32
    %slice3A_187 = vector.extract_strided_slice %scan3A_168 {offsets = [6], sizes = [1], strides = [1]} : vector<16xf32> to vector<1xf32>
    %squeeze3A_188 = vector.extract %slice3A_187[0] : f32 from vector<1xf32>
    %add3A_189 = arith.addf %add3A_186, %squeeze3A_188 : f32
    %slice3A_190 = vector.extract_strided_slice %scan3A_168 {offsets = [7], sizes = [1], strides = [1]} : vector<16xf32> to vector<1xf32>
    %squeeze3A_191 = vector.extract %slice3A_190[0] : f32 from vector<1xf32>
    %add3A_192 = arith.addf %add3A_189, %squeeze3A_191 : f32
    %slice3A_193 = vector.extract_strided_slice %scan3A_168 {offsets = [8], sizes = [1], strides = [1]} : vector<16xf32> to vector<1xf32>
    %squeeze3A_194 = vector.extract %slice3A_193[0] : f32 from vector<1xf32>
    %add3A_195 = arith.addf %add3A_192, %squeeze3A_194 : f32
    %slice3A_196 = vector.extract_strided_slice %scan3A_168 {offsets = [9], sizes = [1], strides = [1]} : vector<16xf32> to vector<1xf32>
    %squeeze3A_197 = vector.extract %slice3A_196[0] : f32 from vector<1xf32>
    %add3A_198 = arith.addf %add3A_195, %squeeze3A_197 : f32
    %slice3A_199 = vector.extract_strided_slice %scan3A_168 {offsets = [10], sizes = [1], strides = [1]} : vector<16xf32> to vector<1xf32>
    %squeeze3A_200 = vector.extract %slice3A_199[0] : f32 from vector<1xf32>
    %add3A_201 = arith.addf %add3A_198, %squeeze3A_200 : f32
    %slice3A_202 = vector.extract_strided_slice %scan3A_168 {offsets = [11], sizes = [1], strides = [1]} : vector<16xf32> to vector<1xf32>
    %squeeze3A_203 = vector.extract %slice3A_202[0] : f32 from vector<1xf32>
    %add3A_204 = arith.addf %add3A_201, %squeeze3A_203 : f32
    %slice3A_205 = vector.extract_strided_slice %scan3A_168 {offsets = [12], sizes = [1], strides = [1]} : vector<16xf32> to vector<1xf32>
    %squeeze3A_206 = vector.extract %slice3A_205[0] : f32 from vector<1xf32>
    %add3A_207 = arith.addf %add3A_204, %squeeze3A_206 : f32
    %slice3A_208 = vector.extract_strided_slice %scan3A_168 {offsets = [13], sizes = [1], strides = [1]} : vector<16xf32> to vector<1xf32>
    %squeeze3A_209 = vector.extract %slice3A_208[0] : f32 from vector<1xf32>
    %add3A_210 = arith.addf %add3A_207, %squeeze3A_209 : f32
    %slice3A_211 = vector.extract_strided_slice %scan3A_168 {offsets = [14], sizes = [1], strides = [1]} : vector<16xf32> to vector<1xf32>
    %squeeze3A_212 = vector.extract %slice3A_211[0] : f32 from vector<1xf32>
    %add3A_213 = arith.addf %add3A_210, %squeeze3A_212 : f32
    %slice3A_214 = vector.extract_strided_slice %scan3A_168 {offsets = [15], sizes = [1], strides = [1]} : vector<16xf32> to vector<1xf32>
    %squeeze3A_215 = vector.extract %slice3A_214[0] : f32 from vector<1xf32>
    %add3A_216 = arith.addf %add3A_213, %squeeze3A_215 : f32
    %broadcast_in_dim3A_217 = arith.constant 0.000000e+00 : f32
    %broadcast_in_dim3A_218 = vector.broadcast %broadcast_in_dim3A_217 : f32 to vector<16xf32>
    %scan3A_219 = arith.constant 0 : i32
    %scan3A_220 = arith.constant 256 : i32
    %scan3A_221 = arith.addi %scan3A_219, %scan3A_220 : i32
    %scan3A_222 = arith.constant 8 : i32
    %scan3A_223 = scf.for %scan3A_567 = %scan3A_219 to %scan3A_221 step %scan3A_222 iter_args(%scan3A_568 = %broadcast_in_dim3A_218) -> (vector<16xf32>)  : i32 {
      %mul3A_569 = arith.constant 16 : i32
      %mul3A_570 = arith.muli %scan3A_567, %mul3A_569 : i32
      %get3A = arith.index_cast %mul3A_570 : i32 to index
      %get3A_571 = tpu.vector_load %arg6[%get3A] {strides = array<i32>} : memref<4096xf32, #tpu.memory_space<vmem>>, vector<16xf32>,
      %get3A_572 = vector.shape_cast %get3A_571 : vector<16xf32> to vector<16xf32>
      %get3A_573 = arith.constant 4 : i32
      %get3A_574 = arith.index_cast %get3A_573 : i32 to index
      %get3A_575 = arith.index_cast %mul3A_570 : i32 to index
      %get3A_576 = tpu.vector_load %arg7[%get3A_574, %get3A_575] {strides = array<i32>} : memref<8x4096xf32, #tpu.memory_space<vmem>>, vector<1x16xf32>,
      %get3A_577 = vector.shape_cast %get3A_576 : vector<1x16xf32> to vector<16xf32>
      %mul3A_578 = arith.mulf %get3A_572, %get3A_577 : vector<16xf32>
      %add3A_579 = arith.addf %scan3A_568, %mul3A_578 : vector<16xf32>
      %scan3A_580 = arith.constant 1 : i32
      %scan3A_581 = arith.addi %scan3A_567, %scan3A_580 : i32
      %mul3A_582 = arith.constant 16 : i32
      %mul3A_583 = arith.muli %scan3A_581, %mul3A_582 : i32
      %get3A_584 = arith.index_cast %mul3A_583 : i32 to index
      %get3A_585 = tpu.vector_load %arg6[%get3A_584] {strides = array<i32>} : memref<4096xf32, #tpu.memory_space<vmem>>, vector<16xf32>,
      %get3A_586 = vector.shape_cast %get3A_585 : vector<16xf32> to vector<16xf32>
      %get3A_587 = arith.constant 4 : i32
      %get3A_588 = arith.index_cast %get3A_587 : i32 to index
      %get3A_589 = arith.index_cast %mul3A_583 : i32 to index
      %get3A_590 = tpu.vector_load %arg7[%get3A_588, %get3A_589] {strides = array<i32>} : memref<8x4096xf32, #tpu.memory_space<vmem>>, vector<1x16xf32>,
      %get3A_591 = vector.shape_cast %get3A_590 : vector<1x16xf32> to vector<16xf32>
      %mul3A_592 = arith.mulf %get3A_586, %get3A_591 : vector<16xf32>
      %add3A_593 = arith.addf %add3A_579, %mul3A_592 : vector<16xf32>
      %scan3A_594 = arith.constant 2 : i32
      %scan3A_595 = arith.addi %scan3A_567, %scan3A_594 : i32
      %mul3A_596 = arith.constant 16 : i32
      %mul3A_597 = arith.muli %scan3A_595, %mul3A_596 : i32
      %get3A_598 = arith.index_cast %mul3A_597 : i32 to index
      %get3A_599 = tpu.vector_load %arg6[%get3A_598] {strides = array<i32>} : memref<4096xf32, #tpu.memory_space<vmem>>, vector<16xf32>,
      %get3A_600 = vector.shape_cast %get3A_599 : vector<16xf32> to vector<16xf32>
      %get3A_601 = arith.constant 4 : i32
      %get3A_602 = arith.index_cast %get3A_601 : i32 to index
      %get3A_603 = arith.index_cast %mul3A_597 : i32 to index
      %get3A_604 = tpu.vector_load %arg7[%get3A_602, %get3A_603] {strides = array<i32>} : memref<8x4096xf32, #tpu.memory_space<vmem>>, vector<1x16xf32>,
      %get3A_605 = vector.shape_cast %get3A_604 : vector<1x16xf32> to vector<16xf32>
      %mul3A_606 = arith.mulf %get3A_600, %get3A_605 : vector<16xf32>
      %add3A_607 = arith.addf %add3A_593, %mul3A_606 : vector<16xf32>
      %scan3A_608 = arith.constant 3 : i32
      %scan3A_609 = arith.addi %scan3A_567, %scan3A_608 : i32
      %mul3A_610 = arith.constant 16 : i32
      %mul3A_611 = arith.muli %scan3A_609, %mul3A_610 : i32
      %get3A_612 = arith.index_cast %mul3A_611 : i32 to index
      %get3A_613 = tpu.vector_load %arg6[%get3A_612] {strides = array<i32>} : memref<4096xf32, #tpu.memory_space<vmem>>, vector<16xf32>,
      %get3A_614 = vector.shape_cast %get3A_613 : vector<16xf32> to vector<16xf32>
      %get3A_615 = arith.constant 4 : i32
      %get3A_616 = arith.index_cast %get3A_615 : i32 to index
      %get3A_617 = arith.index_cast %mul3A_611 : i32 to index
      %get3A_618 = tpu.vector_load %arg7[%get3A_616, %get3A_617] {strides = array<i32>} : memref<8x4096xf32, #tpu.memory_space<vmem>>, vector<1x16xf32>,
      %get3A_619 = vector.shape_cast %get3A_618 : vector<1x16xf32> to vector<16xf32>
      %mul3A_620 = arith.mulf %get3A_614, %get3A_619 : vector<16xf32>
      %add3A_621 = arith.addf %add3A_607, %mul3A_620 : vector<16xf32>
      %scan3A_622 = arith.constant 4 : i32
      %scan3A_623 = arith.addi %scan3A_567, %scan3A_622 : i32
      %mul3A_624 = arith.constant 16 : i32
      %mul3A_625 = arith.muli %scan3A_623, %mul3A_624 : i32
      %get3A_626 = arith.index_cast %mul3A_625 : i32 to index
      %get3A_627 = tpu.vector_load %arg6[%get3A_626] {strides = array<i32>} : memref<4096xf32, #tpu.memory_space<vmem>>, vector<16xf32>,
      %get3A_628 = vector.shape_cast %get3A_627 : vector<16xf32> to vector<16xf32>
      %get3A_629 = arith.constant 4 : i32
      %get3A_630 = arith.index_cast %get3A_629 : i32 to index
      %get3A_631 = arith.index_cast %mul3A_625 : i32 to index
      %get3A_632 = tpu.vector_load %arg7[%get3A_630, %get3A_631] {strides = array<i32>} : memref<8x4096xf32, #tpu.memory_space<vmem>>, vector<1x16xf32>,
      %get3A_633 = vector.shape_cast %get3A_632 : vector<1x16xf32> to vector<16xf32>
      %mul3A_634 = arith.mulf %get3A_628, %get3A_633 : vector<16xf32>
      %add3A_635 = arith.addf %add3A_621, %mul3A_634 : vector<16xf32>
      %scan3A_636 = arith.constant 5 : i32
      %scan3A_637 = arith.addi %scan3A_567, %scan3A_636 : i32
      %mul3A_638 = arith.constant 16 : i32
      %mul3A_639 = arith.muli %scan3A_637, %mul3A_638 : i32
      %get3A_640 = arith.index_cast %mul3A_639 : i32 to index
      %get3A_641 = tpu.vector_load %arg6[%get3A_640] {strides = array<i32>} : memref<4096xf32, #tpu.memory_space<vmem>>, vector<16xf32>,
      %get3A_642 = vector.shape_cast %get3A_641 : vector<16xf32> to vector<16xf32>
      %get3A_643 = arith.constant 4 : i32
      %get3A_644 = arith.index_cast %get3A_643 : i32 to index
      %get3A_645 = arith.index_cast %mul3A_639 : i32 to index
      %get3A_646 = tpu.vector_load %arg7[%get3A_644, %get3A_645] {strides = array<i32>} : memref<8x4096xf32, #tpu.memory_space<vmem>>, vector<1x16xf32>,
      %get3A_647 = vector.shape_cast %get3A_646 : vector<1x16xf32> to vector<16xf32>
      %mul3A_648 = arith.mulf %get3A_642, %get3A_647 : vector<16xf32>
      %add3A_649 = arith.addf %add3A_635, %mul3A_648 : vector<16xf32>
      %scan3A_650 = arith.constant 6 : i32
      %scan3A_651 = arith.addi %scan3A_567, %scan3A_650 : i32
      %mul3A_652 = arith.constant 16 : i32
      %mul3A_653 = arith.muli %scan3A_651, %mul3A_652 : i32
      %get3A_654 = arith.index_cast %mul3A_653 : i32 to index
      %get3A_655 = tpu.vector_load %arg6[%get3A_654] {strides = array<i32>} : memref<4096xf32, #tpu.memory_space<vmem>>, vector<16xf32>,
      %get3A_656 = vector.shape_cast %get3A_655 : vector<16xf32> to vector<16xf32>
      %get3A_657 = arith.constant 4 : i32
      %get3A_658 = arith.index_cast %get3A_657 : i32 to index
      %get3A_659 = arith.index_cast %mul3A_653 : i32 to index
      %get3A_660 = tpu.vector_load %arg7[%get3A_658, %get3A_659] {strides = array<i32>} : memref<8x4096xf32, #tpu.memory_space<vmem>>, vector<1x16xf32>,
      %get3A_661 = vector.shape_cast %get3A_660 : vector<1x16xf32> to vector<16xf32>
      %mul3A_662 = arith.mulf %get3A_656, %get3A_661 : vector<16xf32>
      %add3A_663 = arith.addf %add3A_649, %mul3A_662 : vector<16xf32>
      %scan3A_664 = arith.constant 7 : i32
      %scan3A_665 = arith.addi %scan3A_567, %scan3A_664 : i32
      %mul3A_666 = arith.constant 16 : i32
      %mul3A_667 = arith.muli %scan3A_665, %mul3A_666 : i32
      %get3A_668 = arith.index_cast %mul3A_667 : i32 to index
      %get3A_669 = tpu.vector_load %arg6[%get3A_668] {strides = array<i32>} : memref<4096xf32, #tpu.memory_space<vmem>>, vector<16xf32>,
      %get3A_670 = vector.shape_cast %get3A_669 : vector<16xf32> to vector<16xf32>
      %get3A_671 = arith.constant 4 : i32
      %get3A_672 = arith.index_cast %get3A_671 : i32 to index
      %get3A_673 = arith.index_cast %mul3A_667 : i32 to index
      %get3A_674 = tpu.vector_load %arg7[%get3A_672, %get3A_673] {strides = array<i32>} : memref<8x4096xf32, #tpu.memory_space<vmem>>, vector<1x16xf32>,
      %get3A_675 = vector.shape_cast %get3A_674 : vector<1x16xf32> to vector<16xf32>
      %mul3A_676 = arith.mulf %get3A_670, %get3A_675 : vector<16xf32>
      %add3A_677 = arith.addf %add3A_663, %mul3A_676 : vector<16xf32>
      scf.yield %add3A_677 : vector<16xf32>
    }
    %scan3A_224 = arith.constant 256 : i32
    %slice3A_225 = vector.extract_strided_slice %scan3A_223 {offsets = [0], sizes = [1], strides = [1]} : vector<16xf32> to vector<1xf32>
    %squeeze3A_226 = vector.extract %slice3A_225[0] : f32 from vector<1xf32>
    %slice3A_227 = vector.extract_strided_slice %scan3A_223 {offsets = [1], sizes = [1], strides = [1]} : vector<16xf32> to vector<1xf32>
    %squeeze3A_228 = vector.extract %slice3A_227[0] : f32 from vector<1xf32>
    %add3A_229 = arith.addf %squeeze3A_226, %squeeze3A_228 : f32
    %slice3A_230 = vector.extract_strided_slice %scan3A_223 {offsets = [2], sizes = [1], strides = [1]} : vector<16xf32> to vector<1xf32>
    %squeeze3A_231 = vector.extract %slice3A_230[0] : f32 from vector<1xf32>
    %add3A_232 = arith.addf %add3A_229, %squeeze3A_231 : f32
    %slice3A_233 = vector.extract_strided_slice %scan3A_223 {offsets = [3], sizes = [1], strides = [1]} : vector<16xf32> to vector<1xf32>
    %squeeze3A_234 = vector.extract %slice3A_233[0] : f32 from vector<1xf32>
    %add3A_235 = arith.addf %add3A_232, %squeeze3A_234 : f32
    %slice3A_236 = vector.extract_strided_slice %scan3A_223 {offsets = [4], sizes = [1], strides = [1]} : vector<16xf32> to vector<1xf32>
    %squeeze3A_237 = vector.extract %slice3A_236[0] : f32 from vector<1xf32>
    %add3A_238 = arith.addf %add3A_235, %squeeze3A_237 : f32
    %slice3A_239 = vector.extract_strided_slice %scan3A_223 {offsets = [5], sizes = [1], strides = [1]} : vector<16xf32> to vector<1xf32>
    %squeeze3A_240 = vector.extract %slice3A_239[0] : f32 from vector<1xf32>
    %add3A_241 = arith.addf %add3A_238, %squeeze3A_240 : f32
    %slice3A_242 = vector.extract_strided_slice %scan3A_223 {offsets = [6], sizes = [1], strides = [1]} : vector<16xf32> to vector<1xf32>
    %squeeze3A_243 = vector.extract %slice3A_242[0] : f32 from vector<1xf32>
    %add3A_244 = arith.addf %add3A_241, %squeeze3A_243 : f32
    %slice3A_245 = vector.extract_strided_slice %scan3A_223 {offsets = [7], sizes = [1], strides = [1]} : vector<16xf32> to vector<1xf32>
    %squeeze3A_246 = vector.extract %slice3A_245[0] : f32 from vector<1xf32>
    %add3A_247 = arith.addf %add3A_244, %squeeze3A_246 : f32
    %slice3A_248 = vector.extract_strided_slice %scan3A_223 {offsets = [8], sizes = [1], strides = [1]} : vector<16xf32> to vector<1xf32>
    %squeeze3A_249 = vector.extract %slice3A_248[0] : f32 from vector<1xf32>
    %add3A_250 = arith.addf %add3A_247, %squeeze3A_249 : f32
    %slice3A_251 = vector.extract_strided_slice %scan3A_223 {offsets = [9], sizes = [1], strides = [1]} : vector<16xf32> to vector<1xf32>
    %squeeze3A_252 = vector.extract %slice3A_251[0] : f32 from vector<1xf32>
    %add3A_253 = arith.addf %add3A_250, %squeeze3A_252 : f32
    %slice3A_254 = vector.extract_strided_slice %scan3A_223 {offsets = [10], sizes = [1], strides = [1]} : vector<16xf32> to vector<1xf32>
    %squeeze3A_255 = vector.extract %slice3A_254[0] : f32 from vector<1xf32>
    %add3A_256 = arith.addf %add3A_253, %squeeze3A_255 : f32
    %slice3A_257 = vector.extract_strided_slice %scan3A_223 {offsets = [11], sizes = [1], strides = [1]} : vector<16xf32> to vector<1xf32>
    %squeeze3A_258 = vector.extract %slice3A_257[0] : f32 from vector<1xf32>
    %add3A_259 = arith.addf %add3A_256, %squeeze3A_258 : f32
    %slice3A_260 = vector.extract_strided_slice %scan3A_223 {offsets = [12], sizes = [1], strides = [1]} : vector<16xf32> to vector<1xf32>
    %squeeze3A_261 = vector.extract %slice3A_260[0] : f32 from vector<1xf32>
    %add3A_262 = arith.addf %add3A_259, %squeeze3A_261 : f32
    %slice3A_263 = vector.extract_strided_slice %scan3A_223 {offsets = [13], sizes = [1], strides = [1]} : vector<16xf32> to vector<1xf32>
    %squeeze3A_264 = vector.extract %slice3A_263[0] : f32 from vector<1xf32>
    %add3A_265 = arith.addf %add3A_262, %squeeze3A_264 : f32
    %slice3A_266 = vector.extract_strided_slice %scan3A_223 {offsets = [14], sizes = [1], strides = [1]} : vector<16xf32> to vector<1xf32>
    %squeeze3A_267 = vector.extract %slice3A_266[0] : f32 from vector<1xf32>
    %add3A_268 = arith.addf %add3A_265, %squeeze3A_267 : f32
    %slice3A_269 = vector.extract_strided_slice %scan3A_223 {offsets = [15], sizes = [1], strides = [1]} : vector<16xf32> to vector<1xf32>
    %squeeze3A_270 = vector.extract %slice3A_269[0] : f32 from vector<1xf32>
    %add3A_271 = arith.addf %add3A_268, %squeeze3A_270 : f32
    %broadcast_in_dim3A_272 = arith.constant 0.000000e+00 : f32
    %broadcast_in_dim3A_273 = vector.broadcast %broadcast_in_dim3A_272 : f32 to vector<16xf32>
    %scan3A_274 = arith.constant 0 : i32
    %scan3A_275 = arith.constant 256 : i32
    %scan3A_276 = arith.addi %scan3A_274, %scan3A_275 : i32
    %scan3A_277 = arith.constant 8 : i32
    %scan3A_278 = scf.for %scan3A_567 = %scan3A_274 to %scan3A_276 step %scan3A_277 iter_args(%scan3A_568 = %broadcast_in_dim3A_273) -> (vector<16xf32>)  : i32 {
      %mul3A_569 = arith.constant 16 : i32
      %mul3A_570 = arith.muli %scan3A_567, %mul3A_569 : i32
      %get3A = arith.index_cast %mul3A_570 : i32 to index
      %get3A_571 = tpu.vector_load %arg6[%get3A] {strides = array<i32>} : memref<4096xf32, #tpu.memory_space<vmem>>, vector<16xf32>,
      %get3A_572 = vector.shape_cast %get3A_571 : vector<16xf32> to vector<16xf32>
      %get3A_573 = arith.constant 5 : i32
      %get3A_574 = arith.index_cast %get3A_573 : i32 to index
      %get3A_575 = arith.index_cast %mul3A_570 : i32 to index
      %get3A_576 = tpu.vector_load %arg7[%get3A_574, %get3A_575] {strides = array<i32>} : memref<8x4096xf32, #tpu.memory_space<vmem>>, vector<1x16xf32>,
      %get3A_577 = vector.shape_cast %get3A_576 : vector<1x16xf32> to vector<16xf32>
      %mul3A_578 = arith.mulf %get3A_572, %get3A_577 : vector<16xf32>
      %add3A_579 = arith.addf %scan3A_568, %mul3A_578 : vector<16xf32>
      %scan3A_580 = arith.constant 1 : i32
      %scan3A_581 = arith.addi %scan3A_567, %scan3A_580 : i32
      %mul3A_582 = arith.constant 16 : i32
      %mul3A_583 = arith.muli %scan3A_581, %mul3A_582 : i32
      %get3A_584 = arith.index_cast %mul3A_583 : i32 to index
      %get3A_585 = tpu.vector_load %arg6[%get3A_584] {strides = array<i32>} : memref<4096xf32, #tpu.memory_space<vmem>>, vector<16xf32>,
      %get3A_586 = vector.shape_cast %get3A_585 : vector<16xf32> to vector<16xf32>
      %get3A_587 = arith.constant 5 : i32
      %get3A_588 = arith.index_cast %get3A_587 : i32 to index
      %get3A_589 = arith.index_cast %mul3A_583 : i32 to index
      %get3A_590 = tpu.vector_load %arg7[%get3A_588, %get3A_589] {strides = array<i32>} : memref<8x4096xf32, #tpu.memory_space<vmem>>, vector<1x16xf32>,
      %get3A_591 = vector.shape_cast %get3A_590 : vector<1x16xf32> to vector<16xf32>
      %mul3A_592 = arith.mulf %get3A_586, %get3A_591 : vector<16xf32>
      %add3A_593 = arith.addf %add3A_579, %mul3A_592 : vector<16xf32>
      %scan3A_594 = arith.constant 2 : i32
      %scan3A_595 = arith.addi %scan3A_567, %scan3A_594 : i32
      %mul3A_596 = arith.constant 16 : i32
      %mul3A_597 = arith.muli %scan3A_595, %mul3A_596 : i32
      %get3A_598 = arith.index_cast %mul3A_597 : i32 to index
      %get3A_599 = tpu.vector_load %arg6[%get3A_598] {strides = array<i32>} : memref<4096xf32, #tpu.memory_space<vmem>>, vector<16xf32>,
      %get3A_600 = vector.shape_cast %get3A_599 : vector<16xf32> to vector<16xf32>
      %get3A_601 = arith.constant 5 : i32
      %get3A_602 = arith.index_cast %get3A_601 : i32 to index
      %get3A_603 = arith.index_cast %mul3A_597 : i32 to index
      %get3A_604 = tpu.vector_load %arg7[%get3A_602, %get3A_603] {strides = array<i32>} : memref<8x4096xf32, #tpu.memory_space<vmem>>, vector<1x16xf32>,
      %get3A_605 = vector.shape_cast %get3A_604 : vector<1x16xf32> to vector<16xf32>
      %mul3A_606 = arith.mulf %get3A_600, %get3A_605 : vector<16xf32>
      %add3A_607 = arith.addf %add3A_593, %mul3A_606 : vector<16xf32>
      %scan3A_608 = arith.constant 3 : i32
      %scan3A_609 = arith.addi %scan3A_567, %scan3A_608 : i32
      %mul3A_610 = arith.constant 16 : i32
      %mul3A_611 = arith.muli %scan3A_609, %mul3A_610 : i32
      %get3A_612 = arith.index_cast %mul3A_611 : i32 to index
      %get3A_613 = tpu.vector_load %arg6[%get3A_612] {strides = array<i32>} : memref<4096xf32, #tpu.memory_space<vmem>>, vector<16xf32>,
      %get3A_614 = vector.shape_cast %get3A_613 : vector<16xf32> to vector<16xf32>
      %get3A_615 = arith.constant 5 : i32
      %get3A_616 = arith.index_cast %get3A_615 : i32 to index
      %get3A_617 = arith.index_cast %mul3A_611 : i32 to index
      %get3A_618 = tpu.vector_load %arg7[%get3A_616, %get3A_617] {strides = array<i32>} : memref<8x4096xf32, #tpu.memory_space<vmem>>, vector<1x16xf32>,
      %get3A_619 = vector.shape_cast %get3A_618 : vector<1x16xf32> to vector<16xf32>
      %mul3A_620 = arith.mulf %get3A_614, %get3A_619 : vector<16xf32>
      %add3A_621 = arith.addf %add3A_607, %mul3A_620 : vector<16xf32>
      %scan3A_622 = arith.constant 4 : i32
      %scan3A_623 = arith.addi %scan3A_567, %scan3A_622 : i32
      %mul3A_624 = arith.constant 16 : i32
      %mul3A_625 = arith.muli %scan3A_623, %mul3A_624 : i32
      %get3A_626 = arith.index_cast %mul3A_625 : i32 to index
      %get3A_627 = tpu.vector_load %arg6[%get3A_626] {strides = array<i32>} : memref<4096xf32, #tpu.memory_space<vmem>>, vector<16xf32>,
      %get3A_628 = vector.shape_cast %get3A_627 : vector<16xf32> to vector<16xf32>
      %get3A_629 = arith.constant 5 : i32
      %get3A_630 = arith.index_cast %get3A_629 : i32 to index
      %get3A_631 = arith.index_cast %mul3A_625 : i32 to index
      %get3A_632 = tpu.vector_load %arg7[%get3A_630, %get3A_631] {strides = array<i32>} : memref<8x4096xf32, #tpu.memory_space<vmem>>, vector<1x16xf32>,
      %get3A_633 = vector.shape_cast %get3A_632 : vector<1x16xf32> to vector<16xf32>
      %mul3A_634 = arith.mulf %get3A_628, %get3A_633 : vector<16xf32>
      %add3A_635 = arith.addf %add3A_621, %mul3A_634 : vector<16xf32>
      %scan3A_636 = arith.constant 5 : i32
      %scan3A_637 = arith.addi %scan3A_567, %scan3A_636 : i32
      %mul3A_638 = arith.constant 16 : i32
      %mul3A_639 = arith.muli %scan3A_637, %mul3A_638 : i32
      %get3A_640 = arith.index_cast %mul3A_639 : i32 to index
      %get3A_641 = tpu.vector_load %arg6[%get3A_640] {strides = array<i32>} : memref<4096xf32, #tpu.memory_space<vmem>>, vector<16xf32>,
      %get3A_642 = vector.shape_cast %get3A_641 : vector<16xf32> to vector<16xf32>
      %get3A_643 = arith.constant 5 : i32
      %get3A_644 = arith.index_cast %get3A_643 : i32 to index
      %get3A_645 = arith.index_cast %mul3A_639 : i32 to index
      %get3A_646 = tpu.vector_load %arg7[%get3A_644, %get3A_645] {strides = array<i32>} : memref<8x4096xf32, #tpu.memory_space<vmem>>, vector<1x16xf32>,
      %get3A_647 = vector.shape_cast %get3A_646 : vector<1x16xf32> to vector<16xf32>
      %mul3A_648 = arith.mulf %get3A_642, %get3A_647 : vector<16xf32>
      %add3A_649 = arith.addf %add3A_635, %mul3A_648 : vector<16xf32>
      %scan3A_650 = arith.constant 6 : i32
      %scan3A_651 = arith.addi %scan3A_567, %scan3A_650 : i32
      %mul3A_652 = arith.constant 16 : i32
      %mul3A_653 = arith.muli %scan3A_651, %mul3A_652 : i32
      %get3A_654 = arith.index_cast %mul3A_653 : i32 to index
      %get3A_655 = tpu.vector_load %arg6[%get3A_654] {strides = array<i32>} : memref<4096xf32, #tpu.memory_space<vmem>>, vector<16xf32>,
      %get3A_656 = vector.shape_cast %get3A_655 : vector<16xf32> to vector<16xf32>
      %get3A_657 = arith.constant 5 : i32
      %get3A_658 = arith.index_cast %get3A_657 : i32 to index
      %get3A_659 = arith.index_cast %mul3A_653 : i32 to index
      %get3A_660 = tpu.vector_load %arg7[%get3A_658, %get3A_659] {strides = array<i32>} : memref<8x4096xf32, #tpu.memory_space<vmem>>, vector<1x16xf32>,
      %get3A_661 = vector.shape_cast %get3A_660 : vector<1x16xf32> to vector<16xf32>
      %mul3A_662 = arith.mulf %get3A_656, %get3A_661 : vector<16xf32>
      %add3A_663 = arith.addf %add3A_649, %mul3A_662 : vector<16xf32>
      %scan3A_664 = arith.constant 7 : i32
      %scan3A_665 = arith.addi %scan3A_567, %scan3A_664 : i32
      %mul3A_666 = arith.constant 16 : i32
      %mul3A_667 = arith.muli %scan3A_665, %mul3A_666 : i32
      %get3A_668 = arith.index_cast %mul3A_667 : i32 to index
      %get3A_669 = tpu.vector_load %arg6[%get3A_668] {strides = array<i32>} : memref<4096xf32, #tpu.memory_space<vmem>>, vector<16xf32>,
      %get3A_670 = vector.shape_cast %get3A_669 : vector<16xf32> to vector<16xf32>
      %get3A_671 = arith.constant 5 : i32
      %get3A_672 = arith.index_cast %get3A_671 : i32 to index
      %get3A_673 = arith.index_cast %mul3A_667 : i32 to index
      %get3A_674 = tpu.vector_load %arg7[%get3A_672, %get3A_673] {strides = array<i32>} : memref<8x4096xf32, #tpu.memory_space<vmem>>, vector<1x16xf32>,
      %get3A_675 = vector.shape_cast %get3A_674 : vector<1x16xf32> to vector<16xf32>
      %mul3A_676 = arith.mulf %get3A_670, %get3A_675 : vector<16xf32>
      %add3A_677 = arith.addf %add3A_663, %mul3A_676 : vector<16xf32>
      scf.yield %add3A_677 : vector<16xf32>
    }
    %scan3A_279 = arith.constant 256 : i32
    %slice3A_280 = vector.extract_strided_slice %scan3A_278 {offsets = [0], sizes = [1], strides = [1]} : vector<16xf32> to vector<1xf32>
    %squeeze3A_281 = vector.extract %slice3A_280[0] : f32 from vector<1xf32>
    %slice3A_282 = vector.extract_strided_slice %scan3A_278 {offsets = [1], sizes = [1], strides = [1]} : vector<16xf32> to vector<1xf32>
    %squeeze3A_283 = vector.extract %slice3A_282[0] : f32 from vector<1xf32>
    %add3A_284 = arith.addf %squeeze3A_281, %squeeze3A_283 : f32
    %slice3A_285 = vector.extract_strided_slice %scan3A_278 {offsets = [2], sizes = [1], strides = [1]} : vector<16xf32> to vector<1xf32>
    %squeeze3A_286 = vector.extract %slice3A_285[0] : f32 from vector<1xf32>
    %add3A_287 = arith.addf %add3A_284, %squeeze3A_286 : f32
    %slice3A_288 = vector.extract_strided_slice %scan3A_278 {offsets = [3], sizes = [1], strides = [1]} : vector<16xf32> to vector<1xf32>
    %squeeze3A_289 = vector.extract %slice3A_288[0] : f32 from vector<1xf32>
    %add3A_290 = arith.addf %add3A_287, %squeeze3A_289 : f32
    %slice3A_291 = vector.extract_strided_slice %scan3A_278 {offsets = [4], sizes = [1], strides = [1]} : vector<16xf32> to vector<1xf32>
    %squeeze3A_292 = vector.extract %slice3A_291[0] : f32 from vector<1xf32>
    %add3A_293 = arith.addf %add3A_290, %squeeze3A_292 : f32
    %slice3A_294 = vector.extract_strided_slice %scan3A_278 {offsets = [5], sizes = [1], strides = [1]} : vector<16xf32> to vector<1xf32>
    %squeeze3A_295 = vector.extract %slice3A_294[0] : f32 from vector<1xf32>
    %add3A_296 = arith.addf %add3A_293, %squeeze3A_295 : f32
    %slice3A_297 = vector.extract_strided_slice %scan3A_278 {offsets = [6], sizes = [1], strides = [1]} : vector<16xf32> to vector<1xf32>
    %squeeze3A_298 = vector.extract %slice3A_297[0] : f32 from vector<1xf32>
    %add3A_299 = arith.addf %add3A_296, %squeeze3A_298 : f32
    %slice3A_300 = vector.extract_strided_slice %scan3A_278 {offsets = [7], sizes = [1], strides = [1]} : vector<16xf32> to vector<1xf32>
    %squeeze3A_301 = vector.extract %slice3A_300[0] : f32 from vector<1xf32>
    %add3A_302 = arith.addf %add3A_299, %squeeze3A_301 : f32
    %slice3A_303 = vector.extract_strided_slice %scan3A_278 {offsets = [8], sizes = [1], strides = [1]} : vector<16xf32> to vector<1xf32>
    %squeeze3A_304 = vector.extract %slice3A_303[0] : f32 from vector<1xf32>
    %add3A_305 = arith.addf %add3A_302, %squeeze3A_304 : f32
    %slice3A_306 = vector.extract_strided_slice %scan3A_278 {offsets = [9], sizes = [1], strides = [1]} : vector<16xf32> to vector<1xf32>
    %squeeze3A_307 = vector.extract %slice3A_306[0] : f32 from vector<1xf32>
    %add3A_308 = arith.addf %add3A_305, %squeeze3A_307 : f32
    %slice3A_309 = vector.extract_strided_slice %scan3A_278 {offsets = [10], sizes = [1], strides = [1]} : vector<16xf32> to vector<1xf32>
    %squeeze3A_310 = vector.extract %slice3A_309[0] : f32 from vector<1xf32>
    %add3A_311 = arith.addf %add3A_308, %squeeze3A_310 : f32
    %slice3A_312 = vector.extract_strided_slice %scan3A_278 {offsets = [11], sizes = [1], strides = [1]} : vector<16xf32> to vector<1xf32>
    %squeeze3A_313 = vector.extract %slice3A_312[0] : f32 from vector<1xf32>
    %add3A_314 = arith.addf %add3A_311, %squeeze3A_313 : f32
    %slice3A_315 = vector.extract_strided_slice %scan3A_278 {offsets = [12], sizes = [1], strides = [1]} : vector<16xf32> to vector<1xf32>
    %squeeze3A_316 = vector.extract %slice3A_315[0] : f32 from vector<1xf32>
    %add3A_317 = arith.addf %add3A_314, %squeeze3A_316 : f32
    %slice3A_318 = vector.extract_strided_slice %scan3A_278 {offsets = [13], sizes = [1], strides = [1]} : vector<16xf32> to vector<1xf32>
    %squeeze3A_319 = vector.extract %slice3A_318[0] : f32 from vector<1xf32>
    %add3A_320 = arith.addf %add3A_317, %squeeze3A_319 : f32
    %slice3A_321 = vector.extract_strided_slice %scan3A_278 {offsets = [14], sizes = [1], strides = [1]} : vector<16xf32> to vector<1xf32>
    %squeeze3A_322 = vector.extract %slice3A_321[0] : f32 from vector<1xf32>
    %add3A_323 = arith.addf %add3A_320, %squeeze3A_322 : f32
    %slice3A_324 = vector.extract_strided_slice %scan3A_278 {offsets = [15], sizes = [1], strides = [1]} : vector<16xf32> to vector<1xf32>
    %squeeze3A_325 = vector.extract %slice3A_324[0] : f32 from vector<1xf32>
    %add3A_326 = arith.addf %add3A_323, %squeeze3A_325 : f32
    %broadcast_in_dim3A_327 = arith.constant 0.000000e+00 : f32
    %broadcast_in_dim3A_328 = vector.broadcast %broadcast_in_dim3A_327 : f32 to vector<16xf32>
    %scan3A_329 = arith.constant 0 : i32
    %scan3A_330 = arith.constant 256 : i32
    %scan3A_331 = arith.addi %scan3A_329, %scan3A_330 : i32
    %scan3A_332 = arith.constant 8 : i32
    %scan3A_333 = scf.for %scan3A_567 = %scan3A_329 to %scan3A_331 step %scan3A_332 iter_args(%scan3A_568 = %broadcast_in_dim3A_328) -> (vector<16xf32>)  : i32 {
      %mul3A_569 = arith.constant 16 : i32
      %mul3A_570 = arith.muli %scan3A_567, %mul3A_569 : i32
      %get3A = arith.index_cast %mul3A_570 : i32 to index
      %get3A_571 = tpu.vector_load %arg6[%get3A] {strides = array<i32>} : memref<4096xf32, #tpu.memory_space<vmem>>, vector<16xf32>,
      %get3A_572 = vector.shape_cast %get3A_571 : vector<16xf32> to vector<16xf32>
      %get3A_573 = arith.constant 6 : i32
      %get3A_574 = arith.index_cast %get3A_573 : i32 to index
      %get3A_575 = arith.index_cast %mul3A_570 : i32 to index
      %get3A_576 = tpu.vector_load %arg7[%get3A_574, %get3A_575] {strides = array<i32>} : memref<8x4096xf32, #tpu.memory_space<vmem>>, vector<1x16xf32>,
      %get3A_577 = vector.shape_cast %get3A_576 : vector<1x16xf32> to vector<16xf32>
      %mul3A_578 = arith.mulf %get3A_572, %get3A_577 : vector<16xf32>
      %add3A_579 = arith.addf %scan3A_568, %mul3A_578 : vector<16xf32>
      %scan3A_580 = arith.constant 1 : i32
      %scan3A_581 = arith.addi %scan3A_567, %scan3A_580 : i32
      %mul3A_582 = arith.constant 16 : i32
      %mul3A_583 = arith.muli %scan3A_581, %mul3A_582 : i32
      %get3A_584 = arith.index_cast %mul3A_583 : i32 to index
      %get3A_585 = tpu.vector_load %arg6[%get3A_584] {strides = array<i32>} : memref<4096xf32, #tpu.memory_space<vmem>>, vector<16xf32>,
      %get3A_586 = vector.shape_cast %get3A_585 : vector<16xf32> to vector<16xf32>
      %get3A_587 = arith.constant 6 : i32
      %get3A_588 = arith.index_cast %get3A_587 : i32 to index
      %get3A_589 = arith.index_cast %mul3A_583 : i32 to index
      %get3A_590 = tpu.vector_load %arg7[%get3A_588, %get3A_589] {strides = array<i32>} : memref<8x4096xf32, #tpu.memory_space<vmem>>, vector<1x16xf32>,
      %get3A_591 = vector.shape_cast %get3A_590 : vector<1x16xf32> to vector<16xf32>
      %mul3A_592 = arith.mulf %get3A_586, %get3A_591 : vector<16xf32>
      %add3A_593 = arith.addf %add3A_579, %mul3A_592 : vector<16xf32>
      %scan3A_594 = arith.constant 2 : i32
      %scan3A_595 = arith.addi %scan3A_567, %scan3A_594 : i32
      %mul3A_596 = arith.constant 16 : i32
      %mul3A_597 = arith.muli %scan3A_595, %mul3A_596 : i32
      %get3A_598 = arith.index_cast %mul3A_597 : i32 to index
      %get3A_599 = tpu.vector_load %arg6[%get3A_598] {strides = array<i32>} : memref<4096xf32, #tpu.memory_space<vmem>>, vector<16xf32>,
      %get3A_600 = vector.shape_cast %get3A_599 : vector<16xf32> to vector<16xf32>
      %get3A_601 = arith.constant 6 : i32
      %get3A_602 = arith.index_cast %get3A_601 : i32 to index
      %get3A_603 = arith.index_cast %mul3A_597 : i32 to index
      %get3A_604 = tpu.vector_load %arg7[%get3A_602, %get3A_603] {strides = array<i32>} : memref<8x4096xf32, #tpu.memory_space<vmem>>, vector<1x16xf32>,
      %get3A_605 = vector.shape_cast %get3A_604 : vector<1x16xf32> to vector<16xf32>
      %mul3A_606 = arith.mulf %get3A_600, %get3A_605 : vector<16xf32>
      %add3A_607 = arith.addf %add3A_593, %mul3A_606 : vector<16xf32>
      %scan3A_608 = arith.constant 3 : i32
      %scan3A_609 = arith.addi %scan3A_567, %scan3A_608 : i32
      %mul3A_610 = arith.constant 16 : i32
      %mul3A_611 = arith.muli %scan3A_609, %mul3A_610 : i32
      %get3A_612 = arith.index_cast %mul3A_611 : i32 to index
      %get3A_613 = tpu.vector_load %arg6[%get3A_612] {strides = array<i32>} : memref<4096xf32, #tpu.memory_space<vmem>>, vector<16xf32>,
      %get3A_614 = vector.shape_cast %get3A_613 : vector<16xf32> to vector<16xf32>
      %get3A_615 = arith.constant 6 : i32
      %get3A_616 = arith.index_cast %get3A_615 : i32 to index
      %get3A_617 = arith.index_cast %mul3A_611 : i32 to index
      %get3A_618 = tpu.vector_load %arg7[%get3A_616, %get3A_617] {strides = array<i32>} : memref<8x4096xf32, #tpu.memory_space<vmem>>, vector<1x16xf32>,
      %get3A_619 = vector.shape_cast %get3A_618 : vector<1x16xf32> to vector<16xf32>
      %mul3A_620 = arith.mulf %get3A_614, %get3A_619 : vector<16xf32>
      %add3A_621 = arith.addf %add3A_607, %mul3A_620 : vector<16xf32>
      %scan3A_622 = arith.constant 4 : i32
      %scan3A_623 = arith.addi %scan3A_567, %scan3A_622 : i32
      %mul3A_624 = arith.constant 16 : i32
      %mul3A_625 = arith.muli %scan3A_623, %mul3A_624 : i32
      %get3A_626 = arith.index_cast %mul3A_625 : i32 to index
      %get3A_627 = tpu.vector_load %arg6[%get3A_626] {strides = array<i32>} : memref<4096xf32, #tpu.memory_space<vmem>>, vector<16xf32>,
      %get3A_628 = vector.shape_cast %get3A_627 : vector<16xf32> to vector<16xf32>
      %get3A_629 = arith.constant 6 : i32
      %get3A_630 = arith.index_cast %get3A_629 : i32 to index
      %get3A_631 = arith.index_cast %mul3A_625 : i32 to index
      %get3A_632 = tpu.vector_load %arg7[%get3A_630, %get3A_631] {strides = array<i32>} : memref<8x4096xf32, #tpu.memory_space<vmem>>, vector<1x16xf32>,
      %get3A_633 = vector.shape_cast %get3A_632 : vector<1x16xf32> to vector<16xf32>
      %mul3A_634 = arith.mulf %get3A_628, %get3A_633 : vector<16xf32>
      %add3A_635 = arith.addf %add3A_621, %mul3A_634 : vector<16xf32>
      %scan3A_636 = arith.constant 5 : i32
      %scan3A_637 = arith.addi %scan3A_567, %scan3A_636 : i32
      %mul3A_638 = arith.constant 16 : i32
      %mul3A_639 = arith.muli %scan3A_637, %mul3A_638 : i32
      %get3A_640 = arith.index_cast %mul3A_639 : i32 to index
      %get3A_641 = tpu.vector_load %arg6[%get3A_640] {strides = array<i32>} : memref<4096xf32, #tpu.memory_space<vmem>>, vector<16xf32>,
      %get3A_642 = vector.shape_cast %get3A_641 : vector<16xf32> to vector<16xf32>
      %get3A_643 = arith.constant 6 : i32
      %get3A_644 = arith.index_cast %get3A_643 : i32 to index
      %get3A_645 = arith.index_cast %mul3A_639 : i32 to index
      %get3A_646 = tpu.vector_load %arg7[%get3A_644, %get3A_645] {strides = array<i32>} : memref<8x4096xf32, #tpu.memory_space<vmem>>, vector<1x16xf32>,
      %get3A_647 = vector.shape_cast %get3A_646 : vector<1x16xf32> to vector<16xf32>
      %mul3A_648 = arith.mulf %get3A_642, %get3A_647 : vector<16xf32>
      %add3A_649 = arith.addf %add3A_635, %mul3A_648 : vector<16xf32>
      %scan3A_650 = arith.constant 6 : i32
      %scan3A_651 = arith.addi %scan3A_567, %scan3A_650 : i32
      %mul3A_652 = arith.constant 16 : i32
      %mul3A_653 = arith.muli %scan3A_651, %mul3A_652 : i32
      %get3A_654 = arith.index_cast %mul3A_653 : i32 to index
      %get3A_655 = tpu.vector_load %arg6[%get3A_654] {strides = array<i32>} : memref<4096xf32, #tpu.memory_space<vmem>>, vector<16xf32>,
      %get3A_656 = vector.shape_cast %get3A_655 : vector<16xf32> to vector<16xf32>
      %get3A_657 = arith.constant 6 : i32
      %get3A_658 = arith.index_cast %get3A_657 : i32 to index
      %get3A_659 = arith.index_cast %mul3A_653 : i32 to index
      %get3A_660 = tpu.vector_load %arg7[%get3A_658, %get3A_659] {strides = array<i32>} : memref<8x4096xf32, #tpu.memory_space<vmem>>, vector<1x16xf32>,
      %get3A_661 = vector.shape_cast %get3A_660 : vector<1x16xf32> to vector<16xf32>
      %mul3A_662 = arith.mulf %get3A_656, %get3A_661 : vector<16xf32>
      %add3A_663 = arith.addf %add3A_649, %mul3A_662 : vector<16xf32>
      %scan3A_664 = arith.constant 7 : i32
      %scan3A_665 = arith.addi %scan3A_567, %scan3A_664 : i32
      %mul3A_666 = arith.constant 16 : i32
      %mul3A_667 = arith.muli %scan3A_665, %mul3A_666 : i32
      %get3A_668 = arith.index_cast %mul3A_667 : i32 to index
      %get3A_669 = tpu.vector_load %arg6[%get3A_668] {strides = array<i32>} : memref<4096xf32, #tpu.memory_space<vmem>>, vector<16xf32>,
      %get3A_670 = vector.shape_cast %get3A_669 : vector<16xf32> to vector<16xf32>
      %get3A_671 = arith.constant 6 : i32
      %get3A_672 = arith.index_cast %get3A_671 : i32 to index
      %get3A_673 = arith.index_cast %mul3A_667 : i32 to index
      %get3A_674 = tpu.vector_load %arg7[%get3A_672, %get3A_673] {strides = array<i32>} : memref<8x4096xf32, #tpu.memory_space<vmem>>, vector<1x16xf32>,
      %get3A_675 = vector.shape_cast %get3A_674 : vector<1x16xf32> to vector<16xf32>
      %mul3A_676 = arith.mulf %get3A_670, %get3A_675 : vector<16xf32>
      %add3A_677 = arith.addf %add3A_663, %mul3A_676 : vector<16xf32>
      scf.yield %add3A_677 : vector<16xf32>
    }
    %scan3A_334 = arith.constant 256 : i32
    %slice3A_335 = vector.extract_strided_slice %scan3A_333 {offsets = [0], sizes = [1], strides = [1]} : vector<16xf32> to vector<1xf32>
    %squeeze3A_336 = vector.extract %slice3A_335[0] : f32 from vector<1xf32>
    %slice3A_337 = vector.extract_strided_slice %scan3A_333 {offsets = [1], sizes = [1], strides = [1]} : vector<16xf32> to vector<1xf32>
    %squeeze3A_338 = vector.extract %slice3A_337[0] : f32 from vector<1xf32>
    %add3A_339 = arith.addf %squeeze3A_336, %squeeze3A_338 : f32
    %slice3A_340 = vector.extract_strided_slice %scan3A_333 {offsets = [2], sizes = [1], strides = [1]} : vector<16xf32> to vector<1xf32>
    %squeeze3A_341 = vector.extract %slice3A_340[0] : f32 from vector<1xf32>
    %add3A_342 = arith.addf %add3A_339, %squeeze3A_341 : f32
    %slice3A_343 = vector.extract_strided_slice %scan3A_333 {offsets = [3], sizes = [1], strides = [1]} : vector<16xf32> to vector<1xf32>
    %squeeze3A_344 = vector.extract %slice3A_343[0] : f32 from vector<1xf32>
    %add3A_345 = arith.addf %add3A_342, %squeeze3A_344 : f32
    %slice3A_346 = vector.extract_strided_slice %scan3A_333 {offsets = [4], sizes = [1], strides = [1]} : vector<16xf32> to vector<1xf32>
    %squeeze3A_347 = vector.extract %slice3A_346[0] : f32 from vector<1xf32>
    %add3A_348 = arith.addf %add3A_345, %squeeze3A_347 : f32
    %slice3A_349 = vector.extract_strided_slice %scan3A_333 {offsets = [5], sizes = [1], strides = [1]} : vector<16xf32> to vector<1xf32>
    %squeeze3A_350 = vector.extract %slice3A_349[0] : f32 from vector<1xf32>
    %add3A_351 = arith.addf %add3A_348, %squeeze3A_350 : f32
    %slice3A_352 = vector.extract_strided_slice %scan3A_333 {offsets = [6], sizes = [1], strides = [1]} : vector<16xf32> to vector<1xf32>
    %squeeze3A_353 = vector.extract %slice3A_352[0] : f32 from vector<1xf32>
    %add3A_354 = arith.addf %add3A_351, %squeeze3A_353 : f32
    %slice3A_355 = vector.extract_strided_slice %scan3A_333 {offsets = [7], sizes = [1], strides = [1]} : vector<16xf32> to vector<1xf32>
    %squeeze3A_356 = vector.extract %slice3A_355[0] : f32 from vector<1xf32>
    %add3A_357 = arith.addf %add3A_354, %squeeze3A_356 : f32
    %slice3A_358 = vector.extract_strided_slice %scan3A_333 {offsets = [8], sizes = [1], strides = [1]} : vector<16xf32> to vector<1xf32>
    %squeeze3A_359 = vector.extract %slice3A_358[0] : f32 from vector<1xf32>
    %add3A_360 = arith.addf %add3A_357, %squeeze3A_359 : f32
    %slice3A_361 = vector.extract_strided_slice %scan3A_333 {offsets = [9], sizes = [1], strides = [1]} : vector<16xf32> to vector<1xf32>
    %squeeze3A_362 = vector.extract %slice3A_361[0] : f32 from vector<1xf32>
    %add3A_363 = arith.addf %add3A_360, %squeeze3A_362 : f32
    %slice3A_364 = vector.extract_strided_slice %scan3A_333 {offsets = [10], sizes = [1], strides = [1]} : vector<16xf32> to vector<1xf32>
    %squeeze3A_365 = vector.extract %slice3A_364[0] : f32 from vector<1xf32>
    %add3A_366 = arith.addf %add3A_363, %squeeze3A_365 : f32
    %slice3A_367 = vector.extract_strided_slice %scan3A_333 {offsets = [11], sizes = [1], strides = [1]} : vector<16xf32> to vector<1xf32>
    %squeeze3A_368 = vector.extract %slice3A_367[0] : f32 from vector<1xf32>
    %add3A_369 = arith.addf %add3A_366, %squeeze3A_368 : f32
    %slice3A_370 = vector.extract_strided_slice %scan3A_333 {offsets = [12], sizes = [1], strides = [1]} : vector<16xf32> to vector<1xf32>
    %squeeze3A_371 = vector.extract %slice3A_370[0] : f32 from vector<1xf32>
    %add3A_372 = arith.addf %add3A_369, %squeeze3A_371 : f32
    %slice3A_373 = vector.extract_strided_slice %scan3A_333 {offsets = [13], sizes = [1], strides = [1]} : vector<16xf32> to vector<1xf32>
    %squeeze3A_374 = vector.extract %slice3A_373[0] : f32 from vector<1xf32>
    %add3A_375 = arith.addf %add3A_372, %squeeze3A_374 : f32
    %slice3A_376 = vector.extract_strided_slice %scan3A_333 {offsets = [14], sizes = [1], strides = [1]} : vector<16xf32> to vector<1xf32>
    %squeeze3A_377 = vector.extract %slice3A_376[0] : f32 from vector<1xf32>
    %add3A_378 = arith.addf %add3A_375, %squeeze3A_377 : f32
    %slice3A_379 = vector.extract_strided_slice %scan3A_333 {offsets = [15], sizes = [1], strides = [1]} : vector<16xf32> to vector<1xf32>
    %squeeze3A_380 = vector.extract %slice3A_379[0] : f32 from vector<1xf32>
    %add3A_381 = arith.addf %add3A_378, %squeeze3A_380 : f32
    %broadcast_in_dim3A_382 = arith.constant 0.000000e+00 : f32
    %broadcast_in_dim3A_383 = vector.broadcast %broadcast_in_dim3A_382 : f32 to vector<16xf32>
    %scan3A_384 = arith.constant 0 : i32
    %scan3A_385 = arith.constant 256 : i32
    %scan3A_386 = arith.addi %scan3A_384, %scan3A_385 : i32
    %scan3A_387 = arith.constant 8 : i32
    %scan3A_388 = scf.for %scan3A_567 = %scan3A_384 to %scan3A_386 step %scan3A_387 iter_args(%scan3A_568 = %broadcast_in_dim3A_383) -> (vector<16xf32>)  : i32 {
      %mul3A_569 = arith.constant 16 : i32
      %mul3A_570 = arith.muli %scan3A_567, %mul3A_569 : i32
      %get3A = arith.index_cast %mul3A_570 : i32 to index
      %get3A_571 = tpu.vector_load %arg6[%get3A] {strides = array<i32>} : memref<4096xf32, #tpu.memory_space<vmem>>, vector<16xf32>,
      %get3A_572 = vector.shape_cast %get3A_571 : vector<16xf32> to vector<16xf32>
      %get3A_573 = arith.constant 7 : i32
      %get3A_574 = arith.index_cast %get3A_573 : i32 to index
      %get3A_575 = arith.index_cast %mul3A_570 : i32 to index
      %get3A_576 = tpu.vector_load %arg7[%get3A_574, %get3A_575] {strides = array<i32>} : memref<8x4096xf32, #tpu.memory_space<vmem>>, vector<1x16xf32>,
      %get3A_577 = vector.shape_cast %get3A_576 : vector<1x16xf32> to vector<16xf32>
      %mul3A_578 = arith.mulf %get3A_572, %get3A_577 : vector<16xf32>
      %add3A_579 = arith.addf %scan3A_568, %mul3A_578 : vector<16xf32>
      %scan3A_580 = arith.constant 1 : i32
      %scan3A_581 = arith.addi %scan3A_567, %scan3A_580 : i32
      %mul3A_582 = arith.constant 16 : i32
      %mul3A_583 = arith.muli %scan3A_581, %mul3A_582 : i32
      %get3A_584 = arith.index_cast %mul3A_583 : i32 to index
      %get3A_585 = tpu.vector_load %arg6[%get3A_584] {strides = array<i32>} : memref<4096xf32, #tpu.memory_space<vmem>>, vector<16xf32>,
      %get3A_586 = vector.shape_cast %get3A_585 : vector<16xf32> to vector<16xf32>
      %get3A_587 = arith.constant 7 : i32
      %get3A_588 = arith.index_cast %get3A_587 : i32 to index
      %get3A_589 = arith.index_cast %mul3A_583 : i32 to index
      %get3A_590 = tpu.vector_load %arg7[%get3A_588, %get3A_589] {strides = array<i32>} : memref<8x4096xf32, #tpu.memory_space<vmem>>, vector<1x16xf32>,
      %get3A_591 = vector.shape_cast %get3A_590 : vector<1x16xf32> to vector<16xf32>
      %mul3A_592 = arith.mulf %get3A_586, %get3A_591 : vector<16xf32>
      %add3A_593 = arith.addf %add3A_579, %mul3A_592 : vector<16xf32>
      %scan3A_594 = arith.constant 2 : i32
      %scan3A_595 = arith.addi %scan3A_567, %scan3A_594 : i32
      %mul3A_596 = arith.constant 16 : i32
      %mul3A_597 = arith.muli %scan3A_595, %mul3A_596 : i32
      %get3A_598 = arith.index_cast %mul3A_597 : i32 to index
      %get3A_599 = tpu.vector_load %arg6[%get3A_598] {strides = array<i32>} : memref<4096xf32, #tpu.memory_space<vmem>>, vector<16xf32>,
      %get3A_600 = vector.shape_cast %get3A_599 : vector<16xf32> to vector<16xf32>
      %get3A_601 = arith.constant 7 : i32
      %get3A_602 = arith.index_cast %get3A_601 : i32 to index
      %get3A_603 = arith.index_cast %mul3A_597 : i32 to index
      %get3A_604 = tpu.vector_load %arg7[%get3A_602, %get3A_603] {strides = array<i32>} : memref<8x4096xf32, #tpu.memory_space<vmem>>, vector<1x16xf32>,
      %get3A_605 = vector.shape_cast %get3A_604 : vector<1x16xf32> to vector<16xf32>
      %mul3A_606 = arith.mulf %get3A_600, %get3A_605 : vector<16xf32>
      %add3A_607 = arith.addf %add3A_593, %mul3A_606 : vector<16xf32>
      %scan3A_608 = arith.constant 3 : i32
      %scan3A_609 = arith.addi %scan3A_567, %scan3A_608 : i32
      %mul3A_610 = arith.constant 16 : i32
      %mul3A_611 = arith.muli %scan3A_609, %mul3A_610 : i32
      %get3A_612 = arith.index_cast %mul3A_611 : i32 to index
      %get3A_613 = tpu.vector_load %arg6[%get3A_612] {strides = array<i32>} : memref<4096xf32, #tpu.memory_space<vmem>>, vector<16xf32>,
      %get3A_614 = vector.shape_cast %get3A_613 : vector<16xf32> to vector<16xf32>
      %get3A_615 = arith.constant 7 : i32
      %get3A_616 = arith.index_cast %get3A_615 : i32 to index
      %get3A_617 = arith.index_cast %mul3A_611 : i32 to index
      %get3A_618 = tpu.vector_load %arg7[%get3A_616, %get3A_617] {strides = array<i32>} : memref<8x4096xf32, #tpu.memory_space<vmem>>, vector<1x16xf32>,
      %get3A_619 = vector.shape_cast %get3A_618 : vector<1x16xf32> to vector<16xf32>
      %mul3A_620 = arith.mulf %get3A_614, %get3A_619 : vector<16xf32>
      %add3A_621 = arith.addf %add3A_607, %mul3A_620 : vector<16xf32>
      %scan3A_622 = arith.constant 4 : i32
      %scan3A_623 = arith.addi %scan3A_567, %scan3A_622 : i32
      %mul3A_624 = arith.constant 16 : i32
      %mul3A_625 = arith.muli %scan3A_623, %mul3A_624 : i32
      %get3A_626 = arith.index_cast %mul3A_625 : i32 to index
      %get3A_627 = tpu.vector_load %arg6[%get3A_626] {strides = array<i32>} : memref<4096xf32, #tpu.memory_space<vmem>>, vector<16xf32>,
      %get3A_628 = vector.shape_cast %get3A_627 : vector<16xf32> to vector<16xf32>
      %get3A_629 = arith.constant 7 : i32
      %get3A_630 = arith.index_cast %get3A_629 : i32 to index
      %get3A_631 = arith.index_cast %mul3A_625 : i32 to index
      %get3A_632 = tpu.vector_load %arg7[%get3A_630, %get3A_631] {strides = array<i32>} : memref<8x4096xf32, #tpu.memory_space<vmem>>, vector<1x16xf32>,
      %get3A_633 = vector.shape_cast %get3A_632 : vector<1x16xf32> to vector<16xf32>
      %mul3A_634 = arith.mulf %get3A_628, %get3A_633 : vector<16xf32>
      %add3A_635 = arith.addf %add3A_621, %mul3A_634 : vector<16xf32>
      %scan3A_636 = arith.constant 5 : i32
      %scan3A_637 = arith.addi %scan3A_567, %scan3A_636 : i32
      %mul3A_638 = arith.constant 16 : i32
      %mul3A_639 = arith.muli %scan3A_637, %mul3A_638 : i32
      %get3A_640 = arith.index_cast %mul3A_639 : i32 to index
      %get3A_641 = tpu.vector_load %arg6[%get3A_640] {strides = array<i32>} : memref<4096xf32, #tpu.memory_space<vmem>>, vector<16xf32>,
      %get3A_642 = vector.shape_cast %get3A_641 : vector<16xf32> to vector<16xf32>
      %get3A_643 = arith.constant 7 : i32
      %get3A_644 = arith.index_cast %get3A_643 : i32 to index
      %get3A_645 = arith.index_cast %mul3A_639 : i32 to index
      %get3A_646 = tpu.vector_load %arg7[%get3A_644, %get3A_645] {strides = array<i32>} : memref<8x4096xf32, #tpu.memory_space<vmem>>, vector<1x16xf32>,
      %get3A_647 = vector.shape_cast %get3A_646 : vector<1x16xf32> to vector<16xf32>
      %mul3A_648 = arith.mulf %get3A_642, %get3A_647 : vector<16xf32>
      %add3A_649 = arith.addf %add3A_635, %mul3A_648 : vector<16xf32>
      %scan3A_650 = arith.constant 6 : i32
      %scan3A_651 = arith.addi %scan3A_567, %scan3A_650 : i32
      %mul3A_652 = arith.constant 16 : i32
      %mul3A_653 = arith.muli %scan3A_651, %mul3A_652 : i32
      %get3A_654 = arith.index_cast %mul3A_653 : i32 to index
      %get3A_655 = tpu.vector_load %arg6[%get3A_654] {strides = array<i32>} : memref<4096xf32, #tpu.memory_space<vmem>>, vector<16xf32>,
      %get3A_656 = vector.shape_cast %get3A_655 : vector<16xf32> to vector<16xf32>
      %get3A_657 = arith.constant 7 : i32
      %get3A_658 = arith.index_cast %get3A_657 : i32 to index
      %get3A_659 = arith.index_cast %mul3A_653 : i32 to index
      %get3A_660 = tpu.vector_load %arg7[%get3A_658, %get3A_659] {strides = array<i32>} : memref<8x4096xf32, #tpu.memory_space<vmem>>, vector<1x16xf32>,
      %get3A_661 = vector.shape_cast %get3A_660 : vector<1x16xf32> to vector<16xf32>
      %mul3A_662 = arith.mulf %get3A_656, %get3A_661 : vector<16xf32>
      %add3A_663 = arith.addf %add3A_649, %mul3A_662 : vector<16xf32>
      %scan3A_664 = arith.constant 7 : i32
      %scan3A_665 = arith.addi %scan3A_567, %scan3A_664 : i32
      %mul3A_666 = arith.constant 16 : i32
      %mul3A_667 = arith.muli %scan3A_665, %mul3A_666 : i32
      %get3A_668 = arith.index_cast %mul3A_667 : i32 to index
      %get3A_669 = tpu.vector_load %arg6[%get3A_668] {strides = array<i32>} : memref<4096xf32, #tpu.memory_space<vmem>>, vector<16xf32>,
      %get3A_670 = vector.shape_cast %get3A_669 : vector<16xf32> to vector<16xf32>
      %get3A_671 = arith.constant 7 : i32
      %get3A_672 = arith.index_cast %get3A_671 : i32 to index
      %get3A_673 = arith.index_cast %mul3A_667 : i32 to index
      %get3A_674 = tpu.vector_load %arg7[%get3A_672, %get3A_673] {strides = array<i32>} : memref<8x4096xf32, #tpu.memory_space<vmem>>, vector<1x16xf32>,
      %get3A_675 = vector.shape_cast %get3A_674 : vector<1x16xf32> to vector<16xf32>
      %mul3A_676 = arith.mulf %get3A_670, %get3A_675 : vector<16xf32>
      %add3A_677 = arith.addf %add3A_663, %mul3A_676 : vector<16xf32>
      scf.yield %add3A_677 : vector<16xf32>
    }
    %scan3A_389 = arith.constant 256 : i32
    %slice3A_390 = vector.extract_strided_slice %scan3A_388 {offsets = [0], sizes = [1], strides = [1]} : vector<16xf32> to vector<1xf32>
    %squeeze3A_391 = vector.extract %slice3A_390[0] : f32 from vector<1xf32>
    %slice3A_392 = vector.extract_strided_slice %scan3A_388 {offsets = [1], sizes = [1], strides = [1]} : vector<16xf32> to vector<1xf32>
    %squeeze3A_393 = vector.extract %slice3A_392[0] : f32 from vector<1xf32>
    %add3A_394 = arith.addf %squeeze3A_391, %squeeze3A_393 : f32
    %slice3A_395 = vector.extract_strided_slice %scan3A_388 {offsets = [2], sizes = [1], strides = [1]} : vector<16xf32> to vector<1xf32>
    %squeeze3A_396 = vector.extract %slice3A_395[0] : f32 from vector<1xf32>
    %add3A_397 = arith.addf %add3A_394, %squeeze3A_396 : f32
    %slice3A_398 = vector.extract_strided_slice %scan3A_388 {offsets = [3], sizes = [1], strides = [1]} : vector<16xf32> to vector<1xf32>
    %squeeze3A_399 = vector.extract %slice3A_398[0] : f32 from vector<1xf32>
    %add3A_400 = arith.addf %add3A_397, %squeeze3A_399 : f32
    %slice3A_401 = vector.extract_strided_slice %scan3A_388 {offsets = [4], sizes = [1], strides = [1]} : vector<16xf32> to vector<1xf32>
    %squeeze3A_402 = vector.extract %slice3A_401[0] : f32 from vector<1xf32>
    %add3A_403 = arith.addf %add3A_400, %squeeze3A_402 : f32
    %slice3A_404 = vector.extract_strided_slice %scan3A_388 {offsets = [5], sizes = [1], strides = [1]} : vector<16xf32> to vector<1xf32>
    %squeeze3A_405 = vector.extract %slice3A_404[0] : f32 from vector<1xf32>
    %add3A_406 = arith.addf %add3A_403, %squeeze3A_405 : f32
    %slice3A_407 = vector.extract_strided_slice %scan3A_388 {offsets = [6], sizes = [1], strides = [1]} : vector<16xf32> to vector<1xf32>
    %squeeze3A_408 = vector.extract %slice3A_407[0] : f32 from vector<1xf32>
    %add3A_409 = arith.addf %add3A_406, %squeeze3A_408 : f32
    %slice3A_410 = vector.extract_strided_slice %scan3A_388 {offsets = [7], sizes = [1], strides = [1]} : vector<16xf32> to vector<1xf32>
    %squeeze3A_411 = vector.extract %slice3A_410[0] : f32 from vector<1xf32>
    %add3A_412 = arith.addf %add3A_409, %squeeze3A_411 : f32
    %slice3A_413 = vector.extract_strided_slice %scan3A_388 {offsets = [8], sizes = [1], strides = [1]} : vector<16xf32> to vector<1xf32>
    %squeeze3A_414 = vector.extract %slice3A_413[0] : f32 from vector<1xf32>
    %add3A_415 = arith.addf %add3A_412, %squeeze3A_414 : f32
    %slice3A_416 = vector.extract_strided_slice %scan3A_388 {offsets = [9], sizes = [1], strides = [1]} : vector<16xf32> to vector<1xf32>
    %squeeze3A_417 = vector.extract %slice3A_416[0] : f32 from vector<1xf32>
    %add3A_418 = arith.addf %add3A_415, %squeeze3A_417 : f32
    %slice3A_419 = vector.extract_strided_slice %scan3A_388 {offsets = [10], sizes = [1], strides = [1]} : vector<16xf32> to vector<1xf32>
    %squeeze3A_420 = vector.extract %slice3A_419[0] : f32 from vector<1xf32>
    %add3A_421 = arith.addf %add3A_418, %squeeze3A_420 : f32
    %slice3A_422 = vector.extract_strided_slice %scan3A_388 {offsets = [11], sizes = [1], strides = [1]} : vector<16xf32> to vector<1xf32>
    %squeeze3A_423 = vector.extract %slice3A_422[0] : f32 from vector<1xf32>
    %add3A_424 = arith.addf %add3A_421, %squeeze3A_423 : f32
    %slice3A_425 = vector.extract_strided_slice %scan3A_388 {offsets = [12], sizes = [1], strides = [1]} : vector<16xf32> to vector<1xf32>
    %squeeze3A_426 = vector.extract %slice3A_425[0] : f32 from vector<1xf32>
    %add3A_427 = arith.addf %add3A_424, %squeeze3A_426 : f32
    %slice3A_428 = vector.extract_strided_slice %scan3A_388 {offsets = [13], sizes = [1], strides = [1]} : vector<16xf32> to vector<1xf32>
    %squeeze3A_429 = vector.extract %slice3A_428[0] : f32 from vector<1xf32>
    %add3A_430 = arith.addf %add3A_427, %squeeze3A_429 : f32
    %slice3A_431 = vector.extract_strided_slice %scan3A_388 {offsets = [14], sizes = [1], strides = [1]} : vector<16xf32> to vector<1xf32>
    %squeeze3A_432 = vector.extract %slice3A_431[0] : f32 from vector<1xf32>
    %add3A_433 = arith.addf %add3A_430, %squeeze3A_432 : f32
    %slice3A_434 = vector.extract_strided_slice %scan3A_388 {offsets = [15], sizes = [1], strides = [1]} : vector<16xf32> to vector<1xf32>
    %squeeze3A_435 = vector.extract %slice3A_434[0] : f32 from vector<1xf32>
    %add3A_436 = arith.addf %add3A_433, %squeeze3A_435 : f32
    %max3A = arith.maximumf %add3A_51, %add3A_106 : f32
    %max3A_437 = arith.maximumf %max3A, %add3A_161 : f32
    %max3A_438 = arith.maximumf %max3A_437, %add3A_216 : f32
    %max3A_439 = arith.maximumf %max3A_438, %add3A_271 : f32
    %max3A_440 = arith.maximumf %max3A_439, %add3A_326 : f32
    %max3A_441 = arith.maximumf %max3A_440, %add3A_381 : f32
    %max3A_442 = arith.maximumf %max3A_441, %add3A_436 : f32
    %eq3A = arith.cmpf oeq, %add3A_381, %max3A_442 : f32
    %jit3A = arith.constant 6 : i32
    %jit3A_443 = arith.constant 7 : i32
    %select_n3A = arith.select %eq3A, %jit3A, %jit3A_443 : i32
    %eq3A_444 = arith.cmpf oeq, %add3A_326, %max3A_442 : f32
    %jit3A_445 = arith.constant 5 : i32
    %select_n3A_446 = arith.select %eq3A_444, %jit3A_445, %select_n3A : i32
    %eq3A_447 = arith.cmpf oeq, %add3A_271, %max3A_442 : f32
    %jit3A_448 = arith.constant 4 : i32
    %select_n3A_449 = arith.select %eq3A_447, %jit3A_448, %select_n3A_446 : i32
    %eq3A_450 = arith.cmpf oeq, %add3A_216, %max3A_442 : f32
    %jit3A_451 = arith.constant 3 : i32
    %select_n3A_452 = arith.select %eq3A_450, %jit3A_451, %select_n3A_449 : i32
    %eq3A_453 = arith.cmpf oeq, %add3A_161, %max3A_442 : f32
    %jit3A_454 = arith.constant 2 : i32
    %select_n3A_455 = arith.select %eq3A_453, %jit3A_454, %select_n3A_452 : i32
    %eq3A_456 = arith.cmpf oeq, %add3A_106, %max3A_442 : f32
    %jit3A_457 = arith.constant 1 : i32
    %select_n3A_458 = arith.select %eq3A_456, %jit3A_457, %select_n3A_455 : i32
    %eq3A_459 = arith.cmpf oeq, %add3A_51, %max3A_442 : f32
    %jit3A_460 = arith.constant 0 : i32
    %select_n3A_461 = arith.select %eq3A_459, %jit3A_460, %select_n3A_458 : i32
    %ne3A = arith.constant 0 : i32
    %ne3A_462 = arith.cmpi ne, %ne3A, %select_n3A_461 : i32
    %gt3A = arith.constant 0xFF800000 : f32
    %gt3A_463 = arith.cmpf ogt, %add3A_51, %gt3A : f32
    %and3A = arith.andi %ne3A_462, %gt3A_463 : i1
    %jit3A_464 = arith.constant 0xFF800000 : f32
    %select_n3A_465 = arith.select %and3A, %add3A_51, %jit3A_464 : f32
    %ne3A_466 = arith.constant 1 : i32
    %ne3A_467 = arith.cmpi ne, %ne3A_466, %select_n3A_461 : i32
    %gt3A_468 = arith.cmpf ogt, %add3A_106, %select_n3A_465 : f32
    %and3A_469 = arith.andi %ne3A_467, %gt3A_468 : i1
    %select_n3A_470 = arith.select %and3A_469, %add3A_106, %select_n3A_465 : f32
    %ne3A_471 = arith.constant 2 : i32
    %ne3A_472 = arith.cmpi ne, %ne3A_471, %select_n3A_461 : i32
    %gt3A_473 = arith.cmpf ogt, %add3A_161, %select_n3A_470 : f32
    %and3A_474 = arith.andi %ne3A_472, %gt3A_473 : i1
    %select_n3A_475 = arith.select %and3A_474, %add3A_161, %select_n3A_470 : f32
    %ne3A_476 = arith.constant 3 : i32
    %ne3A_477 = arith.cmpi ne, %ne3A_476, %select_n3A_461 : i32
    %gt3A_478 = arith.cmpf ogt, %add3A_216, %select_n3A_475 : f32
    %and3A_479 = arith.andi %ne3A_477, %gt3A_478 : i1
    %select_n3A_480 = arith.select %and3A_479, %add3A_216, %select_n3A_475 : f32
    %ne3A_481 = arith.constant 4 : i32
    %ne3A_482 = arith.cmpi ne, %ne3A_481, %select_n3A_461 : i32
    %gt3A_483 = arith.cmpf ogt, %add3A_271, %select_n3A_480 : f32
    %and3A_484 = arith.andi %ne3A_482, %gt3A_483 : i1
    %select_n3A_485 = arith.select %and3A_484, %add3A_271, %select_n3A_480 : f32
    %ne3A_486 = arith.constant 5 : i32
    %ne3A_487 = arith.cmpi ne, %ne3A_486, %select_n3A_461 : i32
    %gt3A_488 = arith.cmpf ogt, %add3A_326, %select_n3A_485 : f32
    %and3A_489 = arith.andi %ne3A_487, %gt3A_488 : i1
    %select_n3A_490 = arith.select %and3A_489, %add3A_326, %select_n3A_485 : f32
    %ne3A_491 = arith.constant 6 : i32
    %ne3A_492 = arith.cmpi ne, %ne3A_491, %select_n3A_461 : i32
    %gt3A_493 = arith.cmpf ogt, %add3A_381, %select_n3A_490 : f32
    %and3A_494 = arith.andi %ne3A_492, %gt3A_493 : i1
    %select_n3A_495 = arith.select %and3A_494, %add3A_381, %select_n3A_490 : f32
    %ne3A_496 = arith.constant 7 : i32
    %ne3A_497 = arith.cmpi ne, %ne3A_496, %select_n3A_461 : i32
    %gt3A_498 = arith.cmpf ogt, %add3A_436, %select_n3A_495 : f32
    %and3A_499 = arith.andi %ne3A_497, %gt3A_498 : i1
    %select_n3A_500 = arith.select %and3A_499, %add3A_436, %select_n3A_495 : f32
    %eq3A_501 = arith.cmpf oeq, %add3A_381, %select_n3A_500 : f32
    %ne3A_502 = arith.constant 6 : i32
    %ne3A_503 = arith.cmpi ne, %ne3A_502, %select_n3A_461 : i32
    %and3A_504 = arith.andi %eq3A_501, %ne3A_503 : i1
    %jit3A_505 = arith.constant 6 : i32
    %jit3A_506 = arith.constant 7 : i32
    %select_n3A_507 = arith.select %and3A_504, %jit3A_505, %jit3A_506 : i32
    %eq3A_508 = arith.cmpf oeq, %add3A_326, %select_n3A_500 : f32
    %ne3A_509 = arith.constant 5 : i32
    %ne3A_510 = arith.cmpi ne, %ne3A_509, %select_n3A_461 : i32
    %and3A_511 = arith.andi %eq3A_508, %ne3A_510 : i1
    %jit3A_512 = arith.constant 5 : i32
    %select_n3A_513 = arith.select %and3A_511, %jit3A_512, %select_n3A_507 : i32
    %eq3A_514 = arith.cmpf oeq, %add3A_271, %select_n3A_500 : f32
    %ne3A_515 = arith.constant 4 : i32
    %ne3A_516 = arith.cmpi ne, %ne3A_515, %select_n3A_461 : i32
    %and3A_517 = arith.andi %eq3A_514, %ne3A_516 : i1
    %jit3A_518 = arith.constant 4 : i32
    %select_n3A_519 = arith.select %and3A_517, %jit3A_518, %select_n3A_513 : i32
    %eq3A_520 = arith.cmpf oeq, %add3A_216, %select_n3A_500 : f32
    %ne3A_521 = arith.constant 3 : i32
    %ne3A_522 = arith.cmpi ne, %ne3A_521, %select_n3A_461 : i32
    %and3A_523 = arith.andi %eq3A_520, %ne3A_522 : i1
    %jit3A_524 = arith.constant 3 : i32
    %select_n3A_525 = arith.select %and3A_523, %jit3A_524, %select_n3A_519 : i32
    %eq3A_526 = arith.cmpf oeq, %add3A_161, %select_n3A_500 : f32
    %ne3A_527 = arith.constant 2 : i32
    %ne3A_528 = arith.cmpi ne, %ne3A_527, %select_n3A_461 : i32
    %and3A_529 = arith.andi %eq3A_526, %ne3A_528 : i1
    %jit3A_530 = arith.constant 2 : i32
    %select_n3A_531 = arith.select %and3A_529, %jit3A_530, %select_n3A_525 : i32
    %eq3A_532 = arith.cmpf oeq, %add3A_106, %select_n3A_500 : f32
    %ne3A_533 = arith.constant 1 : i32
    %ne3A_534 = arith.cmpi ne, %ne3A_533, %select_n3A_461 : i32
    %and3A_535 = arith.andi %eq3A_532, %ne3A_534 : i1
    %jit3A_536 = arith.constant 1 : i32
    %select_n3A_537 = arith.select %and3A_535, %jit3A_536, %select_n3A_531 : i32
    %eq3A_538 = arith.cmpf oeq, %add3A_51, %select_n3A_500 : f32
    %ne3A_539 = arith.constant 0 : i32
    %ne3A_540 = arith.cmpi ne, %ne3A_539, %select_n3A_461 : i32
    %and3A_541 = arith.andi %eq3A_538, %ne3A_540 : i1
    %jit3A_542 = arith.constant 0 : i32
    %select_n3A_543 = arith.select %and3A_541, %jit3A_542, %select_n3A_537 : i32
    %iota3A = tpu.iota {dimensions = array<i32: 0>} : vector<16xi32>
    %sub3A = arith.subf %select_n3A_500, %max3A_442 : f32
    %broadcast_in_dim3A_544 = vector.broadcast %sub3A : f32 to vector<16xf32>
    %exp3A = math.exp %broadcast_in_dim3A_544 : vector<16xf32>
    %add3A_545 = arith.constant 1.000000e+00 : f32
    %add3A_546 = vector.broadcast %add3A_545 : f32 to vector<16xf32>
    %add3A_547 = arith.addf %add3A_546, %exp3A : vector<16xf32>
    %div3A = arith.constant 1.000000e+00 : f32
    %div3A_548 = vector.broadcast %div3A : f32 to vector<16xf32>
    %div3A_549 = arith.divf %div3A_548, %add3A_547 : vector<16xf32>
    %sub3A_550 = arith.constant 1.000000e+00 : f32
    %sub3A_551 = vector.broadcast %sub3A_550 : f32 to vector<16xf32>
    %sub3A_552 = arith.subf %sub3A_551, %div3A_549 : vector<16xf32>
    %eq3A_553 = vector.broadcast %select_n3A_461 : i32 to vector<16xi32>
    %eq3A_554 = arith.cmpi eq, %iota3A, %eq3A_553 : vector<16xi32>
    %jit3A_555 = arith.constant 0.000000e+00 : f32
    %broadcast_in_dim3A_556 = vector.broadcast %jit3A_555 : f32 to vector<16xf32>
    %select_n3A_557 = arith.select %eq3A_554, %div3A_549, %broadcast_in_dim3A_556 : vector<16xi1>, vector<16xf32>
    %eq3A_558 = vector.broadcast %select_n3A_543 : i32 to vector<16xi32>
    %eq3A_559 = arith.cmpi eq, %iota3A, %eq3A_558 : vector<16xi32>
    %jit3A_560 = arith.constant 0.000000e+00 : f32
    %broadcast_in_dim3A_561 = vector.broadcast %jit3A_560 : f32 to vector<16xf32>
    %select_n3A_562 = arith.select %eq3A_559, %sub3A_552, %broadcast_in_dim3A_561 : vector<16xi1>, vector<16xf32>
    %add3A_563 = arith.addf %select_n3A_557, %select_n3A_562 : vector<16xf32>
    %swap3A = arith.constant 0 : index
    %swap3A_564 = tpu.vector_load %arg8[%swap3A] {strides = array<i32>} : memref<16xf32, #tpu.memory_space<vmem>>, vector<16xf32>,
    %swap3A_565 = vector.shape_cast %swap3A_564 : vector<16xf32> to vector<16xf32>
    %swap3A_566 = vector.shape_cast %add3A_563 : vector<16xf32> to vector<16xf32>
    tpu.vector_store %arg8[%swap3A], %swap3A_566 {strides = array<i32>} : memref<16xf32, #tpu.memory_space<vmem>>, vector<16xf32>,
    "tpu.region"() ({
      %run_scoped3A = tpu.sem_alloc : memref<!tpu.dma_semaphore, #tpu.memory_space<semaphore_mem>>
      %dma_start3A = arith.constant 0 : i32
      %dma_start3A_567 = tpu.memref_slice %arg5[%add3A, %dma_start3A] : memref<32x16xf32, #tpu.memory_space<hbm>> -> memref<1x16xf32, #tpu.memory_space<hbm>>
      %dma_start3A_568 = tpu.memref_squeeze %dma_start3A_567 : memref<1x16xf32, #tpu.memory_space<hbm>> -> memref<16xf32, #tpu.memory_space<hbm>>
      %dma_start3A_569 = arith.constant 0 : i32
      %dma_start3A_570 = tpu.memref_slice %arg5[%add3A, %dma_start3A_569] : memref<32x16xf32, #tpu.memory_space<hbm>> -> memref<1x16xf32, #tpu.memory_space<hbm>>
      %dma_start3A_571 = tpu.memref_squeeze %dma_start3A_570 : memref<1x16xf32, #tpu.memory_space<hbm>> -> memref<16xf32, #tpu.memory_space<hbm>>
      tpu.enqueue_dma source(%arg8 : memref<16xf32, #tpu.memory_space<vmem>>) target(%dma_start3A_571 : memref<16xf32, #tpu.memory_space<hbm>>) target_semaphore(%run_scoped3A : memref<!tpu.dma_semaphore, #tpu.memory_space<semaphore_mem>>)
      %dma_wait3A = arith.constant 0 : i32
      %dma_wait3A_572 = tpu.memref_slice %arg5[%add3A, %dma_wait3A] : memref<32x16xf32, #tpu.memory_space<hbm>> -> memref<1x16xf32, #tpu.memory_space<hbm>>
      %dma_wait3A_573 = tpu.memref_squeeze %dma_wait3A_572 : memref<1x16xf32, #tpu.memory_space<hbm>> -> memref<16xf32, #tpu.memory_space<hbm>>
      %dma_wait3A_574 = arith.constant 0 : i32
      %dma_wait3A_575 = tpu.memref_slice %arg5[%add3A, %dma_wait3A_574] : memref<32x16xf32, #tpu.memory_space<hbm>> -> memref<1x16xf32, #tpu.memory_space<hbm>>
      %dma_wait3A_576 = tpu.memref_squeeze %dma_wait3A_575 : memref<1x16xf32, #tpu.memory_space<hbm>> -> memref<16xf32, #tpu.memory_space<hbm>>
      tpu.wait_dma2 semaphore(%run_scoped3A : memref<!tpu.dma_semaphore, #tpu.memory_space<semaphore_mem>>) src(%arg8 : memref<16xf32, #tpu.memory_space<vmem>>) dst(%dma_wait3A_576 : memref<16xf32, #tpu.memory_space<hbm>>)
      tpu.yield
    }) : () -> ()
    return
  }
}

module attributes {stable_mosaic.version = 14 : i64} {
  func.func @_partials_body(%arg0: i32, %arg1: i32, %arg2: memref<32x4096xf32, #tpu.memory_space<vmem>>, %arg3: memref<1x512x4096xf32, #tpu.memory_space<vmem>>, %arg4: memref<1x32x4096xf32, #tpu.memory_space<vmem>>) attributes {dimension_semantics = [#tpu.dimension_semantics<arbitrary>, #tpu.dimension_semantics<arbitrary>], iteration_bounds = array<i64: 8, 8>, scalar_prefetch = 0 : i64, scratch_operands = 0 : i64, tpu.core_type = #tpu.core_type<tc>, window_params = [{pipeline_mode = #tpu.pipeline_mode<synchronous>, transform_indices = @transform_0, window_bounds = array<i64: 32, 4096>}, {transform_indices = @transform_1, window_bounds = array<i64: 1, 512, 4096>}, {transform_indices = @transform_2, window_bounds = array<i64: 1, 32, 4096>}]} {
    %eq3A = arith.constant 0 : i32
    %eq3A_0 = arith.cmpi eq, %arg1, %eq3A : i32
    %convert_element_type3A = arith.extui %eq3A_0 : i1 to i32
    %cond3A = arith.constant 0 : i32
    %cond3A_1 = arith.cmpi ne, %convert_element_type3A, %cond3A : i32
    scf.if %cond3A_1 {
      %broadcast_in_dim3A = arith.constant 0.000000e+00 : f32
      %broadcast_in_dim3A_21 = vector.broadcast %broadcast_in_dim3A : f32 to vector<1x32x4096xf32>
      %swap3A_22 = arith.constant 0 : index
      %swap3A_23 = arith.constant 0 : index
      %swap3A_24 = arith.constant 0 : index
      %swap3A_25 = vector.load %arg4[%swap3A_22, %swap3A_23, %swap3A_24] : memref<1x32x4096xf32, #tpu.memory_space<vmem>>, vector<1x32x4096xf32>
      tpu.vector_store %arg4[%swap3A_22, %swap3A_23, %swap3A_24], %broadcast_in_dim3A_21 {strides = array<i32>} : memref<1x32x4096xf32, #tpu.memory_space<vmem>>, vector<1x32x4096xf32>,
    } else {
    }
    %mul3A = arith.constant 512 : i32
    %mul3A_2 = arith.muli %arg1, %mul3A : i32
    %get3A = arith.constant 0 : index
    %get3A_3 = arith.index_cast %mul3A_2 : i32 to index
    %get3A_4 = vector.load %arg2[%get3A, %get3A_3] : memref<32x4096xf32, #tpu.memory_space<vmem>>, vector<32x512xf32>
    %get3A_5 = arith.constant 0 : index
    %get3A_6 = arith.constant 0 : index
    %get3A_7 = arith.constant 0 : index
    %get3A_8 = vector.load %arg4[%get3A_5, %get3A_6, %get3A_7] : memref<1x32x4096xf32, #tpu.memory_space<vmem>>, vector<1x32x4096xf32>
    %get3A_9 = vector.shape_cast %get3A_8 : vector<1x32x4096xf32> to vector<32x4096xf32>
    %get3A_10 = arith.constant 0 : index
    %get3A_11 = arith.constant 0 : index
    %get3A_12 = arith.constant 0 : index
    %get3A_13 = vector.load %arg3[%get3A_10, %get3A_11, %get3A_12] : memref<1x512x4096xf32, #tpu.memory_space<vmem>>, vector<1x512x4096xf32>
    %get3A_14 = vector.shape_cast %get3A_13 : vector<1x512x4096xf32> to vector<512x4096xf32>
    %dot_general3A = arith.constant dense<0.000000e+00> : vector<32x4096xf32>
    %dot_general3A_15 = tpu.matmul %get3A_4, %get3A_14, %dot_general3A {dimension_numbers = #tpu.dot_dimension_numbers<[1], [0], [0], [1], [0, 0, 1, 1], [], []>, transpose_lhs_hint = false} : vector<32x512xf32>, vector<512x4096xf32>, vector<32x4096xf32> -> vector<32x4096xf32>
    %add3A = arith.addf %get3A_9, %dot_general3A_15 : vector<32x4096xf32>
    %swap3A = arith.constant 0 : index
    %swap3A_16 = arith.constant 0 : index
    %swap3A_17 = arith.constant 0 : index
    %swap3A_18 = vector.load %arg4[%swap3A, %swap3A_16, %swap3A_17] : memref<1x32x4096xf32, #tpu.memory_space<vmem>>, vector<1x32x4096xf32>
    %swap3A_19 = vector.shape_cast %swap3A_18 : vector<1x32x4096xf32> to vector<32x4096xf32>
    %swap3A_20 = vector.shape_cast %add3A : vector<32x4096xf32> to vector<1x32x4096xf32>
    tpu.vector_store %arg4[%swap3A, %swap3A_16, %swap3A_17], %swap3A_20 {strides = array<i32>} : memref<1x32x4096xf32, #tpu.memory_space<vmem>>, vector<1x32x4096xf32>,
    return
  }
  func.func @transform_0(%arg0: i32, %arg1: i32) -> (i32, i32) {
    %c0_i32 = arith.constant 0 : i32
    %c0_i32_0 = arith.constant 0 : i32
    %c0_i32_1 = arith.constant 0 : i32
    return %c0_i32, %c0_i32_0 : i32, i32
  }
  func.func @transform_1(%arg0: i32, %arg1: i32) -> (i32, i32, i32) {
    %c0_i32 = arith.constant 0 : i32
    %c0_i32_0 = arith.constant 0 : i32
    return %arg0, %arg1, %c0_i32 : i32, i32, i32
  }
  func.func @transform_2(%arg0: i32, %arg1: i32) -> (i32, i32, i32) {
    %c0_i32 = arith.constant 0 : i32
    %c0_i32_0 = arith.constant 0 : i32
    %c0_i32_1 = arith.constant 0 : i32
    return %arg0, %c0_i32, %c0_i32_0 : i32, i32, i32
  }
}

module attributes {stable_mosaic.version = 14 : i64} {
  func.func @_combine_body(%arg0: i32, %arg1: memref<8x32x512xf32, #tpu.memory_space<vmem>>, %arg2: memref<32x16xf32, #tpu.memory_space<vmem>>, %arg3: memref<32x1x512xf32, #tpu.memory_space<vmem>>) attributes {dimension_semantics = [#tpu.dimension_semantics<arbitrary>], iteration_bounds = array<i64: 8>, scalar_prefetch = 0 : i64, scratch_operands = 0 : i64, tpu.core_type = #tpu.core_type<tc>, window_params = [{transform_indices = @transform_0, window_bounds = array<i64: 8, 32, 512>}, {pipeline_mode = #tpu.pipeline_mode<synchronous>, transform_indices = @transform_1, window_bounds = array<i64: 32, 16>}, {transform_indices = @transform_2, window_bounds = array<i64: 32, 1, 512>}]} {
    %get3A = arith.constant 0 : index
    %get3A_0 = arith.constant 0 : index
    %get3A_1 = arith.constant 0 : index
    %get3A_2 = vector.load %arg1[%get3A, %get3A_0, %get3A_1] : memref<8x32x512xf32, #tpu.memory_space<vmem>>, vector<1x32x512xf32>
    %get3A_3 = vector.shape_cast %get3A_2 : vector<1x32x512xf32> to vector<32x512xf32>
    %get3A_4 = arith.constant 0 : index
    %get3A_5 = arith.constant 0 : index
    %get3A_6 = vector.load %arg2[%get3A_4, %get3A_5] : memref<32x16xf32, #tpu.memory_space<vmem>>, vector<32x1xf32>
    %mul3A = vector.broadcast %get3A_6 : vector<32x1xf32> to vector<32x512xf32>
    %mul3A_7 = arith.mulf %get3A_3, %mul3A : vector<32x512xf32>
    %get3A_8 = arith.constant 1 : index
    %get3A_9 = arith.constant 0 : index
    %get3A_10 = arith.constant 0 : index
    %get3A_11 = vector.load %arg1[%get3A_8, %get3A_9, %get3A_10] : memref<8x32x512xf32, #tpu.memory_space<vmem>>, vector<1x32x512xf32>
    %get3A_12 = vector.shape_cast %get3A_11 : vector<1x32x512xf32> to vector<32x512xf32>
    %get3A_13 = arith.constant 0 : index
    %get3A_14 = arith.constant 1 : index
    %get3A_15 = vector.load %arg2[%get3A_13, %get3A_14] : memref<32x16xf32, #tpu.memory_space<vmem>>, vector<32x1xf32>
    %mul3A_16 = vector.broadcast %get3A_15 : vector<32x1xf32> to vector<32x512xf32>
    %mul3A_17 = arith.mulf %get3A_12, %mul3A_16 : vector<32x512xf32>
    %add3A = arith.addf %mul3A_7, %mul3A_17 : vector<32x512xf32>
    %get3A_18 = arith.constant 2 : index
    %get3A_19 = arith.constant 0 : index
    %get3A_20 = arith.constant 0 : index
    %get3A_21 = vector.load %arg1[%get3A_18, %get3A_19, %get3A_20] : memref<8x32x512xf32, #tpu.memory_space<vmem>>, vector<1x32x512xf32>
    %get3A_22 = vector.shape_cast %get3A_21 : vector<1x32x512xf32> to vector<32x512xf32>
    %get3A_23 = arith.constant 0 : index
    %get3A_24 = arith.constant 2 : index
    %get3A_25 = vector.load %arg2[%get3A_23, %get3A_24] : memref<32x16xf32, #tpu.memory_space<vmem>>, vector<32x1xf32>
    %mul3A_26 = vector.broadcast %get3A_25 : vector<32x1xf32> to vector<32x512xf32>
    %mul3A_27 = arith.mulf %get3A_22, %mul3A_26 : vector<32x512xf32>
    %add3A_28 = arith.addf %add3A, %mul3A_27 : vector<32x512xf32>
    %get3A_29 = arith.constant 3 : index
    %get3A_30 = arith.constant 0 : index
    %get3A_31 = arith.constant 0 : index
    %get3A_32 = vector.load %arg1[%get3A_29, %get3A_30, %get3A_31] : memref<8x32x512xf32, #tpu.memory_space<vmem>>, vector<1x32x512xf32>
    %get3A_33 = vector.shape_cast %get3A_32 : vector<1x32x512xf32> to vector<32x512xf32>
    %get3A_34 = arith.constant 0 : index
    %get3A_35 = arith.constant 3 : index
    %get3A_36 = vector.load %arg2[%get3A_34, %get3A_35] : memref<32x16xf32, #tpu.memory_space<vmem>>, vector<32x1xf32>
    %mul3A_37 = vector.broadcast %get3A_36 : vector<32x1xf32> to vector<32x512xf32>
    %mul3A_38 = arith.mulf %get3A_33, %mul3A_37 : vector<32x512xf32>
    %add3A_39 = arith.addf %add3A_28, %mul3A_38 : vector<32x512xf32>
    %get3A_40 = arith.constant 4 : index
    %get3A_41 = arith.constant 0 : index
    %get3A_42 = arith.constant 0 : index
    %get3A_43 = vector.load %arg1[%get3A_40, %get3A_41, %get3A_42] : memref<8x32x512xf32, #tpu.memory_space<vmem>>, vector<1x32x512xf32>
    %get3A_44 = vector.shape_cast %get3A_43 : vector<1x32x512xf32> to vector<32x512xf32>
    %get3A_45 = arith.constant 0 : index
    %get3A_46 = arith.constant 4 : index
    %get3A_47 = vector.load %arg2[%get3A_45, %get3A_46] : memref<32x16xf32, #tpu.memory_space<vmem>>, vector<32x1xf32>
    %mul3A_48 = vector.broadcast %get3A_47 : vector<32x1xf32> to vector<32x512xf32>
    %mul3A_49 = arith.mulf %get3A_44, %mul3A_48 : vector<32x512xf32>
    %add3A_50 = arith.addf %add3A_39, %mul3A_49 : vector<32x512xf32>
    %get3A_51 = arith.constant 5 : index
    %get3A_52 = arith.constant 0 : index
    %get3A_53 = arith.constant 0 : index
    %get3A_54 = vector.load %arg1[%get3A_51, %get3A_52, %get3A_53] : memref<8x32x512xf32, #tpu.memory_space<vmem>>, vector<1x32x512xf32>
    %get3A_55 = vector.shape_cast %get3A_54 : vector<1x32x512xf32> to vector<32x512xf32>
    %get3A_56 = arith.constant 0 : index
    %get3A_57 = arith.constant 5 : index
    %get3A_58 = vector.load %arg2[%get3A_56, %get3A_57] : memref<32x16xf32, #tpu.memory_space<vmem>>, vector<32x1xf32>
    %mul3A_59 = vector.broadcast %get3A_58 : vector<32x1xf32> to vector<32x512xf32>
    %mul3A_60 = arith.mulf %get3A_55, %mul3A_59 : vector<32x512xf32>
    %add3A_61 = arith.addf %add3A_50, %mul3A_60 : vector<32x512xf32>
    %get3A_62 = arith.constant 6 : index
    %get3A_63 = arith.constant 0 : index
    %get3A_64 = arith.constant 0 : index
    %get3A_65 = vector.load %arg1[%get3A_62, %get3A_63, %get3A_64] : memref<8x32x512xf32, #tpu.memory_space<vmem>>, vector<1x32x512xf32>
    %get3A_66 = vector.shape_cast %get3A_65 : vector<1x32x512xf32> to vector<32x512xf32>
    %get3A_67 = arith.constant 0 : index
    %get3A_68 = arith.constant 6 : index
    %get3A_69 = vector.load %arg2[%get3A_67, %get3A_68] : memref<32x16xf32, #tpu.memory_space<vmem>>, vector<32x1xf32>
    %mul3A_70 = vector.broadcast %get3A_69 : vector<32x1xf32> to vector<32x512xf32>
    %mul3A_71 = arith.mulf %get3A_66, %mul3A_70 : vector<32x512xf32>
    %add3A_72 = arith.addf %add3A_61, %mul3A_71 : vector<32x512xf32>
    %get3A_73 = arith.constant 7 : index
    %get3A_74 = arith.constant 0 : index
    %get3A_75 = arith.constant 0 : index
    %get3A_76 = vector.load %arg1[%get3A_73, %get3A_74, %get3A_75] : memref<8x32x512xf32, #tpu.memory_space<vmem>>, vector<1x32x512xf32>
    %get3A_77 = vector.shape_cast %get3A_76 : vector<1x32x512xf32> to vector<32x512xf32>
    %get3A_78 = arith.constant 0 : index
    %get3A_79 = arith.constant 7 : index
    %get3A_80 = vector.load %arg2[%get3A_78, %get3A_79] : memref<32x16xf32, #tpu.memory_space<vmem>>, vector<32x1xf32>
    %mul3A_81 = vector.broadcast %get3A_80 : vector<32x1xf32> to vector<32x512xf32>
    %mul3A_82 = arith.mulf %get3A_77, %mul3A_81 : vector<32x512xf32>
    %add3A_83 = arith.addf %add3A_72, %mul3A_82 : vector<32x512xf32>
    %swap3A = arith.constant 0 : index
    %swap3A_84 = arith.constant 0 : index
    %swap3A_85 = arith.constant 0 : index
    %swap3A_86 = vector.load %arg3[%swap3A, %swap3A_84, %swap3A_85] : memref<32x1x512xf32, #tpu.memory_space<vmem>>, vector<32x1x512xf32>
    %swap3A_87 = vector.shape_cast %swap3A_86 : vector<32x1x512xf32> to vector<32x512xf32>
    %swap3A_88 = vector.shape_cast %add3A_83 : vector<32x512xf32> to vector<32x1x512xf32>
    tpu.vector_store %arg3[%swap3A, %swap3A_84, %swap3A_85], %swap3A_88 {strides = array<i32>} : memref<32x1x512xf32, #tpu.memory_space<vmem>>, vector<32x1x512xf32>,
    return
  }
  func.func @transform_0(%arg0: i32) -> (i32, i32, i32) {
    %c0_i32 = arith.constant 0 : i32
    %c0_i32_0 = arith.constant 0 : i32
    %c0_i32_1 = arith.constant 0 : i32
    return %c0_i32, %c0_i32_0, %arg0 : i32, i32, i32
  }
  func.func @transform_1(%arg0: i32) -> (i32, i32) {
    %c0_i32 = arith.constant 0 : i32
    %c0_i32_0 = arith.constant 0 : i32
    %c0_i32_1 = arith.constant 0 : i32
    return %c0_i32, %c0_i32_0 : i32, i32
  }
  func.func @transform_2(%arg0: i32) -> (i32, i32, i32) {
    %c0_i32 = arith.constant 0 : i32
    %c0_i32_0 = arith.constant 0 : i32
    %c0_i32_1 = arith.constant 0 : i32
    return %c0_i32, %c0_i32_0, %arg0 : i32, i32, i32
  }
}

</mosaic_0001>

<sc_bundles>
// kernel: kernel.5.cloned.1.call-start
scs
__scs_entry_jumppad:
0x0: {  	(pc) =	sbr.rel $0x88, $3  }
0x1: {  	(tag) =	ssettag $0x0;
	lr =	simm.s32 $0x1  }
0x2: {  	[smem:$0x3F9E] =	sst lr;
	_ =	strace $0xD0000000  }
0x3: {  	_ = 	snop  }
0x4: {  	_ = 	snop  }
0x5: {  	_ = 	snop  }
0x6: {  	_ = 	snop  }
0x7: {  	_ = 	snop  }
__scs_overlays_trampoline_lowered:
0x8: {  	[smem:$0x3FAD] =	sst s0  }
0x9: {  	[smem:$0x3FAE] =	sst s1  }
0xa: {  	[smem:$0x3FAF] =	sst s2  }
0xb: {  	[smem:$0x3FB0] =	sst s3  }
0xc: {  	[smem:$0x3FB1] =	sst s4  }
0xd: {  	[smem:$0x3FB2] =	sst s5  }
0xe: {  	[smem:$0x3FB3] =	sst s6  }
0xf: {  	[smem:$0x3FB4] =	sst s7  }
0x10: {  	[smem:$0x3FB5] =	sst s8  }
0x11: {  	[smem:$0x3FB6] =	sst s9;
	s0 =	simm.s32 @!p0 $0x0  }
0x12: {  	s1 =	sld [smem:$0x3F9C];
	s0 =	simm.s32 @p0 $0x1  }
0x13: {  	[smem:$0x3FB7] =	sst s0;
	s0 =	simm.s32 @!p1 $0x0  }
0x14: {  	s2 =	sld [smem:$0x3F9B];
	s0 =	simm.s32 @p1 $0x1  }
0x15: {  	[smem:$0x3FB8] =	sst s0;
	s0 =	simm.s32 @!p2 $0x0  }
0x16: {  	s3 =	sld [smem:$0x3FDB];
	s0 =	simm.s32 @p2 $0x1  }
0x17: {  	s4 =	simm.s32 $0x1BF5;
	[smem:$0x3FBA] =	sst s0  }
0x18: {  	s0 =	sld [smem:$0x3F9D];
	_ =	swait.ge [sflag:s4], $0x0  }
0x19: {  	s7 =	sld [smem:$0x3F9E]  }
0x1a: {  	s8 =	sadd.s32 $0xFFFFE003, lr  }
0x1b: {  	s9 =	sadd.s32 $0xFFFFFEF7, lr;
	s5 =	simm.s32 $0xFFFFFFFF;
	p2 =	slt.u32 s8, $0xFFFFF086  }
0x1c: {  	p1 =	slt.u32 s9, $0xF7A;
	s5 =	simm.s32 @!p2 $0x0  }
0x1d: {  	s5 =	simm.s32 @p1 $0x1;
	p0 =	seq.s32 s7, s2  }
0x1e: {  	s7 =	smul.u32 @!p0 $0xF7A, s2;
	p2 =	seq.s32 @!p0 s5, $0x0  }
0x1f: {  	s9 =	smul.u32 $0xF7A, s1;
	s8 =	simm.s32 @!p0 $0x1BF5;
	p2 =	por !p2, p0  }
0x20: {  	[sflag:s8] =	ssyncset.s32 @!p0 $0xFFFFF086;
	s6 =	sadd.s32 @!p0 s3, s7;
	s7 =	simm.s32 @!p0 $0x108  }
0x21: {  	s3 =	sadd.s32 s3, s9;
	s6 =	sadd.s32 @!p0 $0x88, s6;
	s7 =	simm.s32 @p2 $0x1082  }
0x22: {  	[simem:s7], [sflag:s8] =	dma.local @!p0 [hbm:s6], $0xF7A  }
0x23: {  	s9 =	sor.u32 $0xD0000000, s2;
	s6 =	simm.s32 $0x108;
	_ =	swait.ge @!p0 [sflag:s8], $0x0  }
0x24: {  	s3 =	sadd.s32 $0x88, s3;
	s6 =	simm.s32 @!p1 $0x1082;
	[sflag:s4] =	ssyncset.s32 $0xFFFFF086  }
0x25: {  	[simem:s6], [sflag:s4] =	dma.local [hbm:s3], $0xF7A  }
0x26: {  	[smem:$0x3F9E] =	sst s1;
	(tag) =	ssettag s2;
	_ =	strace s9  }
0x27: {  	s1 =	sld [smem:$0x3FAE]  }
0x28: {  	s2 =	sld [smem:$0x3FAF]  }
0x29: {  	s4 =	sld [smem:$0x3FB1]  }
0x2a: {  	p0 =	seq.s32 s5, $0x0;
	s5 =	sld [smem:$0x3FB2]  }
0x2b: {  	s6 =	sld [smem:$0x3FB3]  }
0x2c: {  	s7 =	sld [smem:$0x3FB4]  }
0x2d: {  	s3 =	simm.s32 $0x108;
	s8 =	sld [smem:$0x3FB5]  }
0x2e: {  	s3 =	simm.s32 @!p0 $0x1082;
	s9 =	sld [smem:$0x3FB6]  }
0x2f: {  	lr =	sadd.s32 s0, s3;
	s0 =	sld [smem:$0x3FAD]  }
0x30: {  	s3 =	sld [smem:$0x3FB0]  }
0x31: {  	[smem:$0x3FB9] =	sst s10  }
0x32: {  	s10 =	sld [smem:$0x3FB7];
	_ =	sdelay $0x3  }
0x33: {  	p0 =	seq.s32 s10, $0x1;
	s10 =	sld [smem:$0x3FB9];
	_ =	sdelay $0x3  }
0x34: {  	[smem:$0x3FB9] =	sst s10  }
0x35: {  	s10 =	sld [smem:$0x3FB8];
	_ =	sdelay $0x3  }
0x36: {  	p1 =	seq.s32 s10, $0x1;
	s10 =	sld [smem:$0x3FB9];
	_ =	sdelay $0x3  }
0x37: {  	[smem:$0x3FB9] =	sst s10  }
0x38: {  	s10 =	sld [smem:$0x3FBA]  }
0x39: {  	_ = 	snop;
	(pc) =	sbr.ind lr, $3  }
0x3a: {  	_ = 	snop  }
0x3b: {  	_ = 	snop  }
0x3c: {  	p2 =	seq.s32 s10, $0x1;
	s10 =	sld [smem:$0x3FB9]  }
0x3d: {  	_ =	shalt  }
0x3e: {  	_ =	shalt  }
0x3f: {  	_ =	shalt  }
0x40: {  	_ =	shalt  }
0x41: {  	_ =	shalt  }
0x42: {  	_ =	shalt  }
0x43: {  	_ =	shalt  }
0x44: {  	_ =	shalt  }
0x45: {  	_ =	shalt  }
0x46: {  	_ =	shalt  }
0x47: {  	_ =	shalt  }
0x48: {  	_ =	shalt  }
0x49: {  	_ =	shalt  }
0x4a: {  	_ =	shalt  }
0x4b: {  	_ =	shalt  }
0x4c: {  	_ =	shalt  }
0x4d: {  	_ =	shalt  }
0x4e: {  	_ =	shalt  }
0x4f: {  	_ =	shalt  }
0x50: {  	_ =	shalt  }
0x51: {  	_ =	shalt  }
0x52: {  	_ =	shalt  }
0x53: {  	_ =	shalt  }
0x54: {  	_ =	shalt  }
0x55: {  	_ =	shalt  }
0x56: {  	_ =	shalt  }
0x57: {  	_ =	shalt  }
0x58: {  	_ =	shalt  }
0x59: {  	_ =	shalt  }
0x5a: {  	_ =	shalt  }
0x5b: {  	_ =	shalt  }
0x5c: {  	_ =	shalt  }
0x5d: {  	_ =	shalt  }
0x5e: {  	_ =	shalt  }
0x5f: {  	_ =	shalt  }
0x60: {  	_ =	shalt  }
0x61: {  	_ =	shalt  }
0x62: {  	_ =	shalt  }
0x63: {  	_ =	shalt  }
0x64: {  	_ =	shalt  }
0x65: {  	_ =	shalt  }
0x66: {  	_ =	shalt  }
0x67: {  	_ =	shalt  }
0x68: {  	_ =	shalt  }
0x69: {  	_ =	shalt  }
0x6a: {  	_ =	shalt  }
0x6b: {  	_ =	shalt  }
0x6c: {  	_ =	shalt  }
0x6d: {  	_ =	shalt  }
0x6e: {  	_ =	shalt  }
0x6f: {  	_ =	shalt  }
0x70: {  	_ =	shalt  }
0x71: {  	_ =	shalt  }
0x72: {  	_ =	shalt  }
0x73: {  	_ =	shalt  }
0x74: {  	_ =	shalt  }
0x75: {  	_ =	shalt  }
0x76: {  	_ =	shalt  }
0x77: {  	_ =	shalt  }
0x78: {  	_ =	shalt  }
0x79: {  	_ =	shalt  }
0x7a: {  	_ =	shalt  }
0x7b: {  	_ =	shalt  }
0x7c: {  	_ =	shalt  }
0x7d: {  	_ =	shalt  }
0x7e: {  	_ =	shalt  }
0x7f: {  	_ =	shalt  }
0x80: {  	_ =	shalt  }
0x81: {  	_ =	shalt  }
0x82: {  	_ =	shalt  }
0x83: {  	_ =	shalt  }
0x84: {  	_ =	shalt  }
0x85: {  	_ =	shalt  }
0x86: {  	_ =	shalt  }
0x87: {  	_ =	shalt  }
.Lfunc_end0:
.L_simem_size_0:
called_computation_lowered:
.L_overlay_start_0:
0x88: {  	s2 =	sld [smem:$0x3FD9]  }
0x89: {  	s3 =	sld [smem:$0x3FFE];
	_ =	sdelay $0x1  }
0x8a: {  	s1 =	srdreg.scid  }
0x8b: {  	s0 =	sand.u32 $0x1, s1  }
0x8c: {  	s17 =	sshll.u32 s0, $0xA;
	s2 =	sadd.s32 s3, s2  }
0x8d: {  	s2 =	sadd.s32 s2, s17  }
0x8e: {  	[smem:$0x3FC5] =	sst s2  }
0x8f: {  	_ = 	snop  }
0x90: {  	s2 =	sld [smem:$0x3FC8]  }
0x91: {  	s18 =	sld [smem:$0x3FD0];
	(tm) =	ssettm $0x1  }
0x92: {  	s4 =	sld [smem:$0x3FFB];
	_ =	sdelay $0x3  }
0x93: {  	_ =	strace s4  }
0x94: {  	s4 =	sld [smem:$0x3FFC];
	_ =	sdelay $0x3  }
0x95: {  	_ =	strace s4  }
0x96: {  	s4 =	sld [smem:$0x3FFD];
	_ =	sdelay $0x3  }
0x97: {  	_ =	strace s4  }
0x98: {  	_ =	strace $0x8FFFFFFF  }
0x99: {  	s19 =	sld [smem:$0x3FDB];
	_ =	sdelay $0x1  }
0x9a: {  	s5 =	simm.s32 $_scs_section_size  }
0x9b: {  	s6 =	simm.s32 $_size__tile_overlayer_lowered;
	s7 =	simm.s32 $_tile_overlayer_lowered  }
0x9c: {  	s22 =	simm.s32 $0x1BFF;
	s21 =	sshll.u32 s7, $0x1;
	s4 =	sadd.s32 s5, s19  }
0x9d: {  	s8 =	simm.s32 $0x0;
	s20 =	sshll.u32 s6, $0x1;
	s6 =	sadd.s32 s21, s4  }
0x9e: {  	[timem:s8], [sflag:s22] =	dma.local [hbm:s6], s20  }
0x9f: {  	_ =	swait.ge [sflag:s22], s20  }
0xa0: {  	s5 =	ssub.s32 $0x0, s20;
	[sflag:s22] =	ssyncset.done $0x0  }
0xa1: {  	[sflag:s22] =	ssyncadd.s32 s5;
	_ =	sdelay $0x1  }
0xa2: {  	s23 =	simm.s32 $0x1B8B  }
0xa3: {  	_ =	swait.ge [sflag:s23], $0x1  }
0xa4: {  	[sflag:s23] =	ssyncset.done $0x0  }
0xa5: {  	s25 =	simm.s32 $0x1B8E;
	s24 =	sld [smem:$0x3FFE];
	[sflag:s23] =	ssyncadd.s32 $0xFFFFFFFF  }
0xa6: {  	s26 =	simm.s32 $execute0_lowered;
	[smem:$0x3FD2] =	sst s25  }
0xa7: {  	s6 =	sshll.u32 s26, $0x1;
	_ =	strace $0x80000046;
	[dreg:$0x1] =	wrdreg $0xFFFFFFFF  }
0xa8: {  	s28 =	simm.s32 $_size_execute0_lowered;
	s4 =	sadd.s32 s4, s6;
	[dreg:$0x0] =	wrdreg $0x0  }
0xa9: {  	s6 =	sshll.u32 s28, $0x1;
	[dreg:$0x2] =	wrdreg s4  }
0xaa: {  	[dreg:$0x3] =	wrdreg s6  }
0xab: {  	[dreg:$0x4] =	wrdreg $0xC0  }
0xac: {  	_ =	task [dreg:s8], $0x5FFFF  }
0xad: {  	[dreg:$0x1] =	wrdreg $0xFFFFFFFF  }
0xae: {  	[dreg:$0x0] =	wrdreg $0x60  }
0xaf: {  	[dreg:$0x2] =	wrdreg s18  }
0xb0: {  	[dreg:$0x3] =	wrdreg s2  }
0xb1: {  	[dreg:$0x4] =	wrdreg s24  }
0xb2: {  	[dreg:$0x5] =	wrdreg $0x9  }
0xb3: {  	_ =	task.clear_ibuf [dreg:s8], $0x6FFFF;
	_ =	strace $0x90000046  }
0xb4: {  	s29 =	simm.s32 $0x9;
	_ =	strace $0x80000048  }
0xb5: {  	_ =	swait.ge [sflag:s29], $0x1  }
0xb6: {  	[sflag:s29] =	ssyncadd.s32 $0xFFFFFFFF  }
0xb7: {  	_ =	strace $0x90000048  }
0xb8: {  	_ =	sfence  }
0xb9: {  	s30 =	sld [smem:$0x0];
	_ =	sdelay $0x2  }
0xba: {  	s31 =	sshll.u32 s1, $0xD;
	s1 =	sshrl.u32 s1, $0x2  }
0xbb: {  	s3 =	sand.u32 $0x4000, s31;
	s1 =	sadd.s32 s1, s30  }
0xbc: {  	s0 =	sor.u32 s3, s0;
	s1 =	sshll.u32 s1, $0x11  }
0xbd: {  	s0 =	sor.u32 s1, s0  }
0xbe: {  	s0 =	sadd.s32 $0x8F2B, s0  }
0xbf: {  	[sflag:s0] =	ssyncadd.remote.s32 $0x1  }
0xc0: {  	_ =	sfence.sel $0xFFFF  }
0xc1: {  	[dreg:$0x0] =	wrdreg $0xFFFFFFFF;
	(pc) =	sbr.abs _section_cstart, $3  }
0xc2: {  	[dreg:$0x1] =	wrdreg $0xFFFFFFFF  }
0xc3: {  	_ =	task.clear_ibuf [dreg:s8], $0x2FFFF;
	_ =	strace $0x9FFFFFFF  }
0xc4: {  	(tm) =	ssettm $0x7FFFFFFF  }
0xc5: {  	_ =	shalt  }
tec
execute0_lowered:
.L_overlay_start_1:
0x0: {  	(tag) =	ssettag $0x1  }
0x1: {  	s4 =	rddreg [dreg:$0x0]  }
0x2: {  	s5 =	rddreg [dreg:$0x2]  }
0x3: {  	s1 =	simm.s32 $0x0;
	s6 =	srdreg.scid;
	s0 =	stileid.u32  }
0x4: {  	[smem:$0x7FF] =	sst s1;
	s6 =	sand.u32 $0x1, s6;
	s7 =	sshll.u32 s0, $0x8  }
0x5: {  	s8 =	sshrl.u32 s0, $0x2;
	s9 =	sshll.u32 s6, $0x7;
	s7 =	sand.u32 $0x300, s7  }
0x6: {  	_ =	strace $0x80000047;
	s28 =	sshll.u32 s8, $0xA;
	s6 =	ssub.s32 $0x2, s6  }
0x7: {  	s8 =	sshll.u32 s8, $0xF;
	s7 =	sor.u32 s9, s7;
	s10 =	sshrl.u32 s6, $0x1  }
0x8: {  	s9 =	sor.u32 s28, s7;
	s7 =	sor.u32 s8, s7;
	s6 =	ssub.s32 s6, s10  }
0x9: {  	s9 =	sshrl.u32 s9, $0x3;
	s7 =	sshrl.u32 s7, $0x3;
	s31 =	smax.u32 s6, $0x1  }
0xa: {  	s5 =	sadd.s32 s9, s5;
	s29 =	sadd.s32 s4, s7;
	[dreg:$0x6] =	wrdreg s31  }
0xb: {  	[dreg:$0x4] =	wrdreg s29;
	s30 =	sadd.s32 $0x800, s5  }
0xc: {  	v0 =	vlaneseq.u32;
	s12 =	simm.s32 $0x0;
	s9 =	simm.s32 $0x1;
	[dreg:$0x5] =	wrdreg s30  }
.LBB2_1:
0xd: {  	s0 =	rddreg [dreg:$0x4];
	s2 =	simm.s32 $0x80;
	s3 =	simm.s32 $0x400  }
0xe: {  	[tilespmem:s1], [sflag:$0x1] =	stream.strided.gather [hbm4b:s0+s2], $0x1000, s3, s2, $0x38;
	[tilespmem:$0x9080] =	vst v63  }
0xf: {  	_ =	swait.ge [sflag:s9], $0x1000  }
0x10: {  	[sflag:s9] =	ssyncset.done $0x0  }
0x11: {  	[sflag:s9] =	ssyncadd.s32 $0xFFFFF000  }
0x12: {  	s31 =	simm.s32 $0x1000;
	s30 =	rddreg [dreg:$0x1]  }
0x13: {  	[tilespmem:s31], [sflag:$0x1] =	stream.linear.gather [hbm4b:s30+s1], $0x8000, $0x38;
	[tilespmem:$0x9080] =	vst v63  }
0x14: {  	_ =	swait.ge [sflag:s9], $0x8000  }
0x15: {  	[sflag:s9] =	ssyncset.done $0x0  }
0x16: {  	s13 =	simm.s32 $0x40;
	[sflag:s9] =	ssyncadd.s32 $0xFFFF8000  }
0x17: {  	s15 =	simm.s32 $0x1040;
	v1 =	vld [tilespmem:s13+$0xFFFFFFC0]  }
0x18: {  	v2 =	vld [tilespmem:s15+$0xFFFFFFC0]  }
0x19: {  	v3 =	vld [tilespmem:s13+$0xFFFFFFD0]  }
0x1a: {  	v4 =	vld [tilespmem:s15+$0xFFFFFFD0]  }
0x1b: {  	v5 =	vld [tilespmem:s13+$0xFFFFFFE0]  }
0x1c: {  	v6 =	vld [tilespmem:s15+$0xFFFFFFE0]  }
0x1d: {  	v8 =	vld [tilespmem:s13+$0xFFFFFFF0];
	v2 =	vmul.f32 v2, v1  }
0x1e: {  	v9 =	vld [tilespmem:s15+$0xFFFFFFF0];
	v1 =	vimm.f32 $0.0e+00  }
0x1f: {  	v10 =	vld [tilespmem:s13+$0x0];
	v3 =	vmul.f32 v4, v3;
	v2 =	vadd.f32 v2, v1  }
0x20: {  	v11 =	vld [tilespmem:s15+$0x0]  }
0x21: {  	v7 =	vld [tilespmem:s15+$0x10];
	v5 =	vmul.f32 v6, v5;
	v2 =	vadd.f32 v3, v2  }
0x22: {  	v4 =	vld [tilespmem:s13+$0x10]  }
0x23: {  	v8 =	vmul.f32 v9, v8;
	v6 =	vld [tilespmem:s15+$0x20];
	v5 =	vadd.f32 v5, v2  }
0x24: {  	v3 =	vld [tilespmem:s13+$0x20]  }
0x25: {  	v9 =	vmul.f32 v11, v10;
	v2 =	vld [tilespmem:s13+$0x30];
	v8 =	vadd.f32 v8, v5  }
0x26: {  	s16 =	simm.s32 $0x0;
	s17 =	simm.s32 $0xC0;
	v5 =	vld [tilespmem:s15+$0x30]  }
.LBB2_2:
0x27: {  	v10 =	vld [tilespmem:s17+$0xFFFFFFC0];
	v8 =	vadd.f32 v9, v8;
	v4 =	vmul.f32 v7, v4;
	s15 =	sadd.s32 $0x400, s15  }
0x28: {  	s16 =	sadd.s32 $0x8, s16;
	v7 =	vld [tilespmem:s15+$0xFFFFFFC0]  }
0x29: {  	p0 =	slt.u32 s16, $0xF8;
	v9 =	vld [tilespmem:s17+$0xFFFFFFD0];
	v4 =	vadd.f32 v4, v8;
	v3 =	vmul.f32 v6, v3  }
0x2a: {  	v6 =	vld [tilespmem:s15+$0xFFFFFFD0]  }
0x2b: {  	v8 =	vld [tilespmem:s17+$0xFFFFFFE0];
	v3 =	vadd.f32 v3, v4;
	v2 =	vmul.f32 v5, v2  }
0x2c: {  	v4 =	vld [tilespmem:s15+$0xFFFFFFE0]  }
0x2d: {  	s14 =	simm.s32 $0x10F0;
	v5 =	vmul.f32 v7, v10;
	v10 =	vld [tilespmem:s17+$0xFFFFFFF0];
	v2 =	vadd.f32 v2, v3  }
0x2e: {  	v3 =	vld [tilespmem:s15+$0xFFFFFFF0]  }
0x2f: {  	v2 =	vadd.f32 v5, v2;
	v5 =	vmul.f32 v6, v9;
	v9 =	vld [tilespmem:s17+$0x0]  }
0x30: {  	v11 =	vld [tilespmem:s15+$0x0]  }
0x31: {  	v2 =	vadd.f32 v5, v2;
	v5 =	vmul.f32 v4, v8;
	v4 =	vld [tilespmem:s17+$0x10]  }
.Ltmp0:
0x32: {  	v7 =	vld [tilespmem:s15+$0x10];
	(pc) =	sbr.rel @p0 .LBB2_2-.Ltmp0, $4  }
0x33: {  	v2 =	vadd.f32 v5, v2;
	v5 =	vmul.f32 v3, v10;
	v3 =	vld [tilespmem:s17+$0x20]  }
0x34: {  	v6 =	vld [tilespmem:s15+$0x20]  }
0x35: {  	v8 =	vadd.f32 v5, v2;
	v9 =	vmul.f32 v11, v9;
	v2 =	vld [tilespmem:s17+$0x30]  }
0x36: {  	s17 =	sadd.s32 $0x80, s17;
	v5 =	vld [tilespmem:s15+$0x30]  }
0x37: {  	v10 =	vld [tilespmem:s13+$0xFFFFFFC0]  }
0x38: {  	v11 =	vld [tilespmem:s14+$0xFFFFFF90]  }
0x39: {  	v12 =	vld [tilespmem:s13+$0xFFFFFFD0]  }
0x3a: {  	v13 =	vld [tilespmem:s14+$0xFFFFFFA0]  }
0x3b: {  	v14 =	vld [tilespmem:s13+$0xFFFFFFE0]  }
0x3c: {  	v15 =	vld [tilespmem:s14+$0xFFFFFFB0]  }
0x3d: {  	v16 =	vld [tilespmem:s13+$0xFFFFFFF0];
	v10 =	vmul.f32 v11, v10  }
0x3e: {  	v8 =	vadd.f32 v9, v8;
	v4 =	vmul.f32 v7, v4;
	v11 =	vld [tilespmem:s14+$0xFFFFFFC0]  }
0x3f: {  	v9 =	vld [tilespmem:s13+$0x0];
	v7 =	vmul.f32 v13, v12;
	v1 =	vadd.f32 v10, v1  }
0x40: {  	v4 =	vadd.f32 v4, v8;
	v10 =	vld [tilespmem:s14+$0xFFFFFFD0]  }
0x41: {  	v6 =	vmul.f32 v6, v3;
	v3 =	vld [tilespmem:s13+$0x10];
	v8 =	vmul.f32 v15, v14;
	v1 =	vadd.f32 v7, v1  }
0x42: {  	v7 =	vld [tilespmem:s14+$0xFFFFFFE0]  }
0x43: {  	v6 =	vadd.f32 v6, v4;
	v4 =	vld [tilespmem:s13+$0x20];
	v11 =	vmul.f32 v11, v16;
	v8 =	vadd.f32 v8, v1  }
0x44: {  	v63 =	vmul.f32 v5, v2;
	v5 =	vld [tilespmem:s14+$0xFFFFFFF0]  }
0x45: {  	v2 =	vld [tilespmem:s13+$0x30];
	v9 =	vmul.f32 v10, v9;
	v8 =	vadd.f32 v11, v8  }
0x46: {  	s15 =	simm.s32 $0x0;
	s16 =	simm.s32 $0xC0;
	v1 =	vadd.f32 v63, v6;
	v6 =	vld [tilespmem:s14+$0x0]  }
.LBB2_4:
0x47: {  	v10 =	vld [tilespmem:s16+$0xFFFFFFC0];
	v8 =	vadd.f32 v9, v8;
	v3 =	vmul.f32 v7, v3;
	s14 =	sadd.s32 $0x400, s14  }
0x48: {  	s15 =	sadd.s32 $0x8, s15;
	v7 =	vld [tilespmem:s14+$0xFFFFFF90]  }
0x49: {  	p0 =	slt.u32 s15, $0xF8;
	v9 =	vld [tilespmem:s16+$0xFFFFFFD0];
	v3 =	vadd.f32 v3, v8;
	v4 =	vmul.f32 v5, v4  }
0x4a: {  	v5 =	vld [tilespmem:s14+$0xFFFFFFA0]  }
0x4b: {  	v8 =	vld [tilespmem:s16+$0xFFFFFFE0];
	v3 =	vadd.f32 v4, v3;
	v2 =	vmul.f32 v6, v2  }
0x4c: {  	v4 =	vld [tilespmem:s14+$0xFFFFFFB0]  }
0x4d: {  	s13 =	simm.s32 $0x1170;
	v6 =	vmul.f32 v7, v10;
	v10 =	vld [tilespmem:s16+$0xFFFFFFF0];
	v2 =	vadd.f32 v2, v3  }
0x4e: {  	v11 =	vld [tilespmem:s14+$0xFFFFFFC0]  }
0x4f: {  	v2 =	vadd.f32 v6, v2;
	v3 =	vmul.f32 v5, v9;
	v6 =	vld [tilespmem:s16+$0x0]  }
0x50: {  	v9 =	vld [tilespmem:s14+$0xFFFFFFD0]  }
0x51: {  	v2 =	vadd.f32 v3, v2;
	v4 =	vmul.f32 v4, v8;
	v3 =	vld [tilespmem:s16+$0x10]  }
.Ltmp1:
0x52: {  	v7 =	vld [tilespmem:s14+$0xFFFFFFE0];
	(pc) =	sbr.rel @p0 .LBB2_4-.Ltmp1, $4  }
0x53: {  	v2 =	vadd.f32 v4, v2;
	v8 =	vmul.f32 v11, v10;
	v4 =	vld [tilespmem:s16+$0x20]  }
0x54: {  	v5 =	vld [tilespmem:s14+$0xFFFFFFF0]  }
0x55: {  	v8 =	vadd.f32 v8, v2;
	v9 =	vmul.f32 v9, v6;
	v2 =	vld [tilespmem:s16+$0x30]  }
0x56: {  	s16 =	sadd.s32 $0x80, s16;
	v6 =	vld [tilespmem:s14+$0x0]  }
0x57: {  	s15 =	simm.s32 $0x40;
	v11 =	vld [tilespmem:s13+$0xFFFFFF90]  }
0x58: {  	v10 =	vld [tilespmem:s15+$0xFFFFFFC0]  }
0x59: {  	v13 =	vld [tilespmem:s13+$0xFFFFFFA0]  }
0x5a: {  	v12 =	vld [tilespmem:s15+$0xFFFFFFD0]  }
0x5b: {  	v15 =	vld [tilespmem:s13+$0xFFFFFFB0]  }
0x5c: {  	v14 =	vld [tilespmem:s15+$0xFFFFFFE0]  }
0x5d: {  	v16 =	vld [tilespmem:s15+$0xFFFFFFF0];
	v10 =	vmul.f32 v11, v10  }
0x5e: {  	v7 =	vmul.f32 v7, v3;
	v3 =	vimm.f32 $0.0e+00;
	v11 =	vld [tilespmem:s13+$0xFFFFFFC0]  }
0x5f: {  	v8 =	vadd.f32 v9, v8;
	v62 =	vld [tilespmem:s13+$0xFFFFFFD0];
	v9 =	vadd.f32 v10, v3;
	v10 =	vmul.f32 v13, v12  }
0x60: {  	v17 =	vld [tilespmem:s15+$0x0]  }
0x61: {  	v8 =	vadd.f32 v7, v8;
	v7 =	vld [tilespmem:s15+$0x10];
	v63 =	vmul.f32 v15, v14;
	v10 =	vadd.f32 v10, v9  }
0x62: {  	v4 =	vmul.f32 v5, v4;
	v9 =	vld [tilespmem:s13+$0xFFFFFFE0]  }
0x63: {  	v5 =	vld [tilespmem:s15+$0x20];
	v11 =	vmul.f32 v11, v16;
	v10 =	vadd.f32 v63, v10  }
0x64: {  	v8 =	vadd.f32 v4, v8;
	v2 =	vmul.f32 v6, v2;
	v6 =	vld [tilespmem:s13+$0xFFFFFFF0]  }
0x65: {  	v4 =	vld [tilespmem:s15+$0x30];
	v10 =	vadd.f32 v11, v10;
	v11 =	vmul.f32 v62, v17  }
0x66: {  	s16 =	simm.s32 $0x0;
	s17 =	simm.s32 $0xC0;
	v2 =	vadd.f32 v2, v8;
	v8 =	vld [tilespmem:s13+$0x0]  }
.LBB2_6:
0x67: {  	v12 =	vld [tilespmem:s17+$0xFFFFFFC0];
	v10 =	vadd.f32 v11, v10;
	v7 =	vmul.f32 v9, v7;
	s13 =	sadd.s32 $0x400, s13  }
0x68: {  	s16 =	sadd.s32 $0x8, s16;
	v9 =	vld [tilespmem:s13+$0xFFFFFF90]  }
0x69: {  	p0 =	slt.u32 s16, $0xF8;
	v11 =	vld [tilespmem:s17+$0xFFFFFFD0];
	v7 =	vadd.f32 v7, v10;
	v5 =	vmul.f32 v6, v5  }
0x6a: {  	v6 =	vld [tilespmem:s13+$0xFFFFFFA0]  }
0x6b: {  	v10 =	vld [tilespmem:s17+$0xFFFFFFE0];
	v5 =	vadd.f32 v5, v7;
	v4 =	vmul.f32 v8, v4  }
0x6c: {  	v7 =	vld [tilespmem:s13+$0xFFFFFFB0]  }
0x6d: {  	s14 =	simm.s32 $0x11F0;
	v8 =	vmul.f32 v9, v12;
	v12 =	vld [tilespmem:s17+$0xFFFFFFF0];
	v4 =	vadd.f32 v4, v5  }
0x6e: {  	v5 =	vld [tilespmem:s13+$0xFFFFFFC0]  }
0x6f: {  	v4 =	vadd.f32 v8, v4;
	v6 =	vmul.f32 v6, v11;
	v8 =	vld [tilespmem:s17+$0x0]  }
0x70: {  	v11 =	vld [tilespmem:s13+$0xFFFFFFD0]  }
0x71: {  	v4 =	vadd.f32 v6, v4;
	v6 =	vmul.f32 v7, v10;
	v7 =	vld [tilespmem:s17+$0x10]  }
.Ltmp2:
0x72: {  	v9 =	vld [tilespmem:s13+$0xFFFFFFE0];
	(pc) =	sbr.rel @p0 .LBB2_6-.Ltmp2, $4  }
0x73: {  	v4 =	vadd.f32 v6, v4;
	v10 =	vmul.f32 v5, v12;
	v5 =	vld [tilespmem:s17+$0x20]  }
0x74: {  	v6 =	vld [tilespmem:s13+$0xFFFFFFF0]  }
0x75: {  	v10 =	vadd.f32 v10, v4;
	v11 =	vmul.f32 v11, v8;
	v4 =	vld [tilespmem:s17+$0x30]  }
0x76: {  	s17 =	sadd.s32 $0x80, s17;
	v8 =	vld [tilespmem:s13+$0x0]  }
0x77: {  	v12 =	vld [tilespmem:s15+$0xFFFFFFC0]  }
0x78: {  	v13 =	vld [tilespmem:s14+$0xFFFFFF90]  }
0x79: {  	v14 =	vld [tilespmem:s15+$0xFFFFFFD0]  }
0x7a: {  	v15 =	vld [tilespmem:s14+$0xFFFFFFA0]  }
0x7b: {  	v16 =	vld [tilespmem:s15+$0xFFFFFFE0]  }
0x7c: {  	v17 =	vld [tilespmem:s14+$0xFFFFFFB0]  }
0x7d: {  	v18 =	vld [tilespmem:s15+$0xFFFFFFF0];
	v12 =	vmul.f32 v13, v12  }
0x7e: {  	v61 =	vld [tilespmem:s14+$0xFFFFFFC0];
	v10 =	vadd.f32 v11, v10;
	v7 =	vmul.f32 v9, v7  }
0x7f: {  	v11 =	vld [tilespmem:s15+$0x0];
	v9 =	vmul.f32 v15, v14;
	v3 =	vadd.f32 v12, v3  }
0x80: {  	v62 =	vld [tilespmem:s14+$0xFFFFFFD0];
	v7 =	vadd.f32 v7, v10  }
0x81: {  	v6 =	vmul.f32 v6, v5;
	v5 =	vld [tilespmem:s15+$0x10];
	v10 =	vmul.f32 v17, v16;
	v3 =	vadd.f32 v9, v3  }
0x82: {  	v9 =	vld [tilespmem:s14+$0xFFFFFFE0]  }
0x83: {  	v63 =	vadd.f32 v6, v7;
	v6 =	vld [tilespmem:s15+$0x20];
	v13 =	vmul.f32 v61, v18;
	v10 =	vadd.f32 v10, v3  }
0x84: {  	v8 =	vmul.f32 v8, v4;
	v7 =	vld [tilespmem:s14+$0xFFFFFFF0]  }
0x85: {  	v4 =	vld [tilespmem:s15+$0x30];
	v11 =	vmul.f32 v62, v11;
	v10 =	vadd.f32 v13, v10  }
0x86: {  	s16 =	simm.s32 $0xC0;
	s15 =	simm.s32 $0x0;
	v3 =	vadd.f32 v8, v63;
	v8 =	vld [tilespmem:s14+$0x0]  }
.LBB2_8:
0x87: {  	v12 =	vld [tilespmem:s16+$0xFFFFFFC0];
	v10 =	vadd.f32 v11, v10;
	v5 =	vmul.f32 v9, v5;
	s14 =	sadd.s32 $0x400, s14  }
0x88: {  	s15 =	sadd.s32 $0x8, s15;
	v9 =	vld [tilespmem:s14+$0xFFFFFF90]  }
0x89: {  	p0 =	slt.u32 s15, $0xF8;
	v11 =	vld [tilespmem:s16+$0xFFFFFFD0];
	v5 =	vadd.f32 v5, v10;
	v6 =	vmul.f32 v7, v6  }
0x8a: {  	v7 =	vld [tilespmem:s14+$0xFFFFFFA0]  }
0x8b: {  	v10 =	vld [tilespmem:s16+$0xFFFFFFE0];
	v5 =	vadd.f32 v6, v5;
	v4 =	vmul.f32 v8, v4  }
0x8c: {  	v6 =	vld [tilespmem:s14+$0xFFFFFFB0]  }
0x8d: {  	s13 =	simm.s32 $0x1270;
	v8 =	vmul.f32 v9, v12;
	v12 =	vld [tilespmem:s16+$0xFFFFFFF0];
	v4 =	vadd.f32 v4, v5  }
0x8e: {  	v13 =	vld [tilespmem:s14+$0xFFFFFFC0]  }
0x8f: {  	v4 =	vadd.f32 v8, v4;
	v5 =	vmul.f32 v7, v11;
	v8 =	vld [tilespmem:s16+$0x0]  }
0x90: {  	v11 =	vld [tilespmem:s14+$0xFFFFFFD0]  }
0x91: {  	v4 =	vadd.f32 v5, v4;
	v6 =	vmul.f32 v6, v10;
	v5 =	vld [tilespmem:s16+$0x10]  }
.Ltmp3:
0x92: {  	v9 =	vld [tilespmem:s14+$0xFFFFFFE0];
	(pc) =	sbr.rel @p0 .LBB2_8-.Ltmp3, $4  }
0x93: {  	v4 =	vadd.f32 v6, v4;
	v10 =	vmul.f32 v13, v12;
	v6 =	vld [tilespmem:s16+$0x20]  }
0x94: {  	v7 =	vld [tilespmem:s14+$0xFFFFFFF0]  }
0x95: {  	v10 =	vadd.f32 v10, v4;
	v11 =	vmul.f32 v11, v8;
	v4 =	vld [tilespmem:s16+$0x30]  }
0x96: {  	s16 =	sadd.s32 $0x80, s16;
	v8 =	vld [tilespmem:s14+$0x0]  }
0x97: {  	s15 =	simm.s32 $0x40;
	v13 =	vld [tilespmem:s13+$0xFFFFFF90]  }
0x98: {  	v12 =	vld [tilespmem:s15+$0xFFFFFFC0]  }
0x99: {  	v15 =	vld [tilespmem:s13+$0xFFFFFFA0]  }
0x9a: {  	v14 =	vld [tilespmem:s15+$0xFFFFFFD0]  }
0x9b: {  	v17 =	vld [tilespmem:s13+$0xFFFFFFB0]  }
0x9c: {  	v16 =	vld [tilespmem:s15+$0xFFFFFFE0]  }
0x9d: {  	v18 =	vld [tilespmem:s15+$0xFFFFFFF0];
	v12 =	vmul.f32 v13, v12  }
0x9e: {  	v9 =	vmul.f32 v9, v5;
	v5 =	vimm.f32 $0.0e+00;
	v13 =	vld [tilespmem:s13+$0xFFFFFFC0]  }
0x9f: {  	v10 =	vadd.f32 v11, v10;
	v19 =	vld [tilespmem:s15+$0x0];
	v11 =	vadd.f32 v12, v5;
	v12 =	vmul.f32 v15, v14  }
0xa0: {  	v14 =	vld [tilespmem:s13+$0xFFFFFFD0]  }
0xa1: {  	v10 =	vadd.f32 v9, v10;
	v9 =	vld [tilespmem:s15+$0x10];
	v15 =	vmul.f32 v17, v16;
	v12 =	vadd.f32 v12, v11  }
0xa2: {  	v6 =	vmul.f32 v7, v6;
	v11 =	vld [tilespmem:s13+$0xFFFFFFE0]  }
0xa3: {  	v7 =	vld [tilespmem:s15+$0x20];
	v13 =	vmul.f32 v13, v18;
	v12 =	vadd.f32 v15, v12  }
0xa4: {  	v10 =	vadd.f32 v6, v10;
	v4 =	vmul.f32 v8, v4;
	v8 =	vld [tilespmem:s13+$0xFFFFFFF0]  }
0xa5: {  	v6 =	vld [tilespmem:s15+$0x30];
	v12 =	vadd.f32 v13, v12;
	v13 =	vmul.f32 v14, v19  }
0xa6: {  	s16 =	simm.s32 $0x0;
	s17 =	simm.s32 $0xC0;
	v4 =	vadd.f32 v4, v10;
	v10 =	vld [tilespmem:s13+$0x0]  }
.LBB2_10:
0xa7: {  	v14 =	vld [tilespmem:s17+$0xFFFFFFC0];
	v12 =	vadd.f32 v13, v12;
	v9 =	vmul.f32 v11, v9;
	s13 =	sadd.s32 $0x400, s13  }
0xa8: {  	s16 =	sadd.s32 $0x8, s16;
	v11 =	vld [tilespmem:s13+$0xFFFFFF90]  }
0xa9: {  	p0 =	slt.u32 s16, $0xF8;
	v13 =	vld [tilespmem:s17+$0xFFFFFFD0];
	v9 =	vadd.f32 v9, v12;
	v7 =	vmul.f32 v8, v7  }
0xaa: {  	v8 =	vld [tilespmem:s13+$0xFFFFFFA0]  }
0xab: {  	v12 =	vld [tilespmem:s17+$0xFFFFFFE0];
	v7 =	vadd.f32 v7, v9;
	v6 =	vmul.f32 v10, v6  }
0xac: {  	v9 =	vld [tilespmem:s13+$0xFFFFFFB0]  }
0xad: {  	s14 =	simm.s32 $0x12F0;
	v10 =	vmul.f32 v11, v14;
	v14 =	vld [tilespmem:s17+$0xFFFFFFF0];
	v6 =	vadd.f32 v6, v7  }
0xae: {  	v7 =	vld [tilespmem:s13+$0xFFFFFFC0]  }
0xaf: {  	v6 =	vadd.f32 v10, v6;
	v8 =	vmul.f32 v8, v13;
	v10 =	vld [tilespmem:s17+$0x0]  }
0xb0: {  	v13 =	vld [tilespmem:s13+$0xFFFFFFD0]  }
0xb1: {  	v6 =	vadd.f32 v8, v6;
	v8 =	vmul.f32 v9, v12;
	v9 =	vld [tilespmem:s17+$0x10]  }
.Ltmp4:
0xb2: {  	v11 =	vld [tilespmem:s13+$0xFFFFFFE0];
	(pc) =	sbr.rel @p0 .LBB2_10-.Ltmp4, $4  }
0xb3: {  	v6 =	vadd.f32 v8, v6;
	v12 =	vmul.f32 v7, v14;
	v7 =	vld [tilespmem:s17+$0x20]  }
0xb4: {  	v8 =	vld [tilespmem:s13+$0xFFFFFFF0]  }
0xb5: {  	v12 =	vadd.f32 v12, v6;
	v13 =	vmul.f32 v13, v10;
	v6 =	vld [tilespmem:s17+$0x30]  }
0xb6: {  	s17 =	sadd.s32 $0x80, s17;
	v10 =	vld [tilespmem:s13+$0x0]  }
0xb7: {  	v14 =	vld [tilespmem:s15+$0xFFFFFFC0]  }
0xb8: {  	v15 =	vld [tilespmem:s14+$0xFFFFFF90]  }
0xb9: {  	v16 =	vld [tilespmem:s15+$0xFFFFFFD0]  }
0xba: {  	v17 =	vld [tilespmem:s14+$0xFFFFFFA0]  }
0xbb: {  	v18 =	vld [tilespmem:s15+$0xFFFFFFE0]  }
0xbc: {  	v19 =	vld [tilespmem:s14+$0xFFFFFFB0]  }
0xbd: {  	v20 =	vld [tilespmem:s15+$0xFFFFFFF0];
	v14 =	vmul.f32 v15, v14  }
0xbe: {  	v12 =	vadd.f32 v13, v12;
	v9 =	vmul.f32 v11, v9;
	v15 =	vld [tilespmem:s14+$0xFFFFFFC0]  }
0xbf: {  	v13 =	vld [tilespmem:s15+$0x0];
	v11 =	vmul.f32 v17, v16;
	v5 =	vadd.f32 v14, v5  }
0xc0: {  	v9 =	vadd.f32 v9, v12;
	v14 =	vld [tilespmem:s14+$0xFFFFFFD0]  }
0xc1: {  	v8 =	vmul.f32 v8, v7;
	v7 =	vld [tilespmem:s15+$0x10];
	v12 =	vmul.f32 v19, v18;
	v5 =	vadd.f32 v11, v5  }
0xc2: {  	v11 =	vld [tilespmem:s14+$0xFFFFFFE0]  }
0xc3: {  	v63 =	vadd.f32 v8, v9;
	v8 =	vld [tilespmem:s15+$0x20];
	v15 =	vmul.f32 v15, v20;
	v12 =	vadd.f32 v12, v5  }
0xc4: {  	v10 =	vmul.f32 v10, v6;
	v9 =	vld [tilespmem:s14+$0xFFFFFFF0]  }
0xc5: {  	v6 =	vld [tilespmem:s15+$0x30];
	v13 =	vmul.f32 v14, v13;
	v12 =	vadd.f32 v15, v12  }
0xc6: {  	s16 =	simm.s32 $0xC0;
	s15 =	simm.s32 $0x0;
	v5 =	vadd.f32 v10, v63;
	v10 =	vld [tilespmem:s14+$0x0]  }
.LBB2_12:
0xc7: {  	v14 =	vld [tilespmem:s16+$0xFFFFFFC0];
	v12 =	vadd.f32 v13, v12;
	v7 =	vmul.f32 v11, v7;
	s14 =	sadd.s32 $0x400, s14  }
0xc8: {  	s15 =	sadd.s32 $0x8, s15;
	v11 =	vld [tilespmem:s14+$0xFFFFFF90]  }
0xc9: {  	p0 =	slt.u32 s15, $0xF8;
	v13 =	vld [tilespmem:s16+$0xFFFFFFD0];
	v7 =	vadd.f32 v7, v12;
	v8 =	vmul.f32 v9, v8  }
0xca: {  	v9 =	vld [tilespmem:s14+$0xFFFFFFA0]  }
0xcb: {  	v12 =	vld [tilespmem:s16+$0xFFFFFFE0];
	v7 =	vadd.f32 v8, v7;
	v6 =	vmul.f32 v10, v6  }
0xcc: {  	v8 =	vld [tilespmem:s14+$0xFFFFFFB0]  }
0xcd: {  	s13 =	simm.s32 $0x1370;
	v10 =	vmul.f32 v11, v14;
	v14 =	vld [tilespmem:s16+$0xFFFFFFF0];
	v6 =	vadd.f32 v6, v7  }
0xce: {  	v15 =	vld [tilespmem:s14+$0xFFFFFFC0]  }
0xcf: {  	v6 =	vadd.f32 v10, v6;
	v7 =	vmul.f32 v9, v13;
	v10 =	vld [tilespmem:s16+$0x0]  }
0xd0: {  	v13 =	vld [tilespmem:s14+$0xFFFFFFD0]  }
0xd1: {  	v6 =	vadd.f32 v7, v6;
	v8 =	vmul.f32 v8, v12;
	v7 =	vld [tilespmem:s16+$0x10]  }
.Ltmp5:
0xd2: {  	v11 =	vld [tilespmem:s14+$0xFFFFFFE0];
	(pc) =	sbr.rel @p0 .LBB2_12-.Ltmp5, $4  }
0xd3: {  	v6 =	vadd.f32 v8, v6;
	v12 =	vmul.f32 v15, v14;
	v8 =	vld [tilespmem:s16+$0x20]  }
0xd4: {  	v9 =	vld [tilespmem:s14+$0xFFFFFFF0]  }
0xd5: {  	v12 =	vadd.f32 v12, v6;
	v13 =	vmul.f32 v13, v10;
	v6 =	vld [tilespmem:s16+$0x30]  }
0xd6: {  	s16 =	sadd.s32 $0x80, s16;
	v10 =	vld [tilespmem:s14+$0x0]  }
0xd7: {  	s14 =	simm.s32 $0x40;
	v15 =	vld [tilespmem:s13+$0xFFFFFF90]  }
0xd8: {  	v14 =	vld [tilespmem:s14+$0xFFFFFFC0]  }
0xd9: {  	v17 =	vld [tilespmem:s13+$0xFFFFFFA0]  }
0xda: {  	v16 =	vld [tilespmem:s14+$0xFFFFFFD0]  }
0xdb: {  	v19 =	vld [tilespmem:s13+$0xFFFFFFB0]  }
0xdc: {  	v18 =	vld [tilespmem:s14+$0xFFFFFFE0]  }
0xdd: {  	v20 =	vld [tilespmem:s14+$0xFFFFFFF0];
	v14 =	vmul.f32 v15, v14  }
0xde: {  	v11 =	vmul.f32 v11, v7;
	v7 =	vimm.f32 $0.0e+00;
	v15 =	vld [tilespmem:s13+$0xFFFFFFC0]  }
0xdf: {  	v12 =	vadd.f32 v13, v12;
	v21 =	vld [tilespmem:s14+$0x0];
	v13 =	vadd.f32 v14, v7;
	v14 =	vmul.f32 v17, v16  }
0xe0: {  	v16 =	vld [tilespmem:s13+$0xFFFFFFD0]  }
0xe1: {  	v12 =	vadd.f32 v11, v12;
	v11 =	vld [tilespmem:s14+$0x10];
	v17 =	vmul.f32 v19, v18;
	v14 =	vadd.f32 v14, v13  }
0xe2: {  	v8 =	vmul.f32 v9, v8;
	v13 =	vld [tilespmem:s13+$0xFFFFFFE0]  }
0xe3: {  	v9 =	vld [tilespmem:s14+$0x20];
	v6 =	vmul.f32 v10, v6;
	v10 =	vadd.f32 v17, v14;
	v14 =	vmul.f32 v15, v20  }
0xe4: {  	v63 =	vadd.f32 v8, v12;
	v12 =	vld [tilespmem:s13+$0xFFFFFFF0]  }
0xe5: {  	v8 =	vld [tilespmem:s14+$0x30];
	v15 =	vmul.f32 v16, v21;
	v14 =	vadd.f32 v14, v10  }
0xe6: {  	s16 =	simm.s32 $0x0;
	s17 =	simm.s32 $0xC0;
	v6 =	vadd.f32 v6, v63;
	v10 =	vld [tilespmem:s13+$0x0]  }
.LBB2_14:
0xe7: {  	v16 =	vld [tilespmem:s17+$0xFFFFFFC0];
	v14 =	vadd.f32 v15, v14;
	v11 =	vmul.f32 v13, v11;
	s13 =	sadd.s32 $0x400, s13  }
0xe8: {  	s16 =	sadd.s32 $0x8, s16;
	v13 =	vld [tilespmem:s13+$0xFFFFFF90]  }
0xe9: {  	p0 =	slt.u32 s16, $0xF8;
	v15 =	vld [tilespmem:s17+$0xFFFFFFD0];
	v11 =	vadd.f32 v11, v14;
	v9 =	vmul.f32 v12, v9  }
0xea: {  	v12 =	vld [tilespmem:s13+$0xFFFFFFA0]  }
0xeb: {  	v14 =	vld [tilespmem:s17+$0xFFFFFFE0];
	v9 =	vadd.f32 v9, v11;
	v8 =	vmul.f32 v10, v8  }
0xec: {  	v10 =	vld [tilespmem:s13+$0xFFFFFFB0]  }
0xed: {  	s15 =	simm.s32 $0x13F0;
	v11 =	vmul.f32 v13, v16;
	v16 =	vld [tilespmem:s17+$0xFFFFFFF0];
	v8 =	vadd.f32 v8, v9  }
0xee: {  	v9 =	vld [tilespmem:s13+$0xFFFFFFC0]  }
0xef: {  	v8 =	vadd.f32 v11, v8;
	v11 =	vmul.f32 v12, v15;
	v15 =	vld [tilespmem:s17+$0x0]  }
0xf0: {  	v17 =	vld [tilespmem:s13+$0xFFFFFFD0]  }
0xf1: {  	v8 =	vadd.f32 v11, v8;
	v10 =	vmul.f32 v10, v14;
	v11 =	vld [tilespmem:s17+$0x10]  }
.Ltmp6:
0xf2: {  	v13 =	vld [tilespmem:s13+$0xFFFFFFE0];
	(pc) =	sbr.rel @p0 .LBB2_14-.Ltmp6, $4  }
0xf3: {  	v8 =	vadd.f32 v10, v8;
	v10 =	vmul.f32 v9, v16;
	v9 =	vld [tilespmem:s17+$0x20]  }
0xf4: {  	v12 =	vld [tilespmem:s13+$0xFFFFFFF0]  }
0xf5: {  	v14 =	vadd.f32 v10, v8;
	v15 =	vmul.f32 v17, v15;
	v8 =	vld [tilespmem:s17+$0x30]  }
0xf6: {  	s17 =	sadd.s32 $0x80, s17;
	v10 =	vld [tilespmem:s13+$0x0]  }
0xf7: {  	v16 =	vld [tilespmem:s14+$0xFFFFFFC0]  }
0xf8: {  	v17 =	vld [tilespmem:s15+$0xFFFFFF90]  }
0xf9: {  	v18 =	vld [tilespmem:s14+$0xFFFFFFD0]  }
0xfa: {  	v19 =	vld [tilespmem:s15+$0xFFFFFFA0]  }
0xfb: {  	v20 =	vld [tilespmem:s14+$0xFFFFFFE0]  }
0xfc: {  	v21 =	vld [tilespmem:s15+$0xFFFFFFB0]  }
0xfd: {  	v22 =	vld [tilespmem:s14+$0xFFFFFFF0];
	v16 =	vmul.f32 v17, v16  }
0xfe: {  	v14 =	vadd.f32 v15, v14;
	v11 =	vmul.f32 v13, v11;
	v17 =	vld [tilespmem:s15+$0xFFFFFFC0]  }
0xff: {  	v15 =	vld [tilespmem:s14+$0x0];
	v13 =	vmul.f32 v19, v18;
	v7 =	vadd.f32 v16, v7  }
0x100: {  	v14 =	vadd.f32 v11, v14;
	v9 =	vmul.f32 v12, v9;
	v16 =	vld [tilespmem:s15+$0xFFFFFFD0]  }
0x101: {  	v11 =	vld [tilespmem:s14+$0x10];
	v12 =	vmul.f32 v21, v20;
	v7 =	vadd.f32 v13, v7  }
0x102: {  	v14 =	vadd.f32 v9, v14;
	v13 =	vld [tilespmem:s15+$0xFFFFFFE0]  }
0x103: {  	v9 =	vld [tilespmem:s14+$0x20];
	v10 =	vmul.f32 v10, v8;
	v17 =	vmul.f32 v17, v22;
	v63 =	vadd.f32 v12, v7  }
0x104: {  	v12 =	vld [tilespmem:s15+$0xFFFFFFF0]  }
0x105: {  	v8 =	vld [tilespmem:s14+$0x30];
	v7 =	vadd.f32 v10, v14;
	v15 =	vmul.f32 v16, v15;
	v14 =	vadd.f32 v17, v63  }
0x106: {  	s13 =	simm.s32 $0x0;
	s14 =	simm.s32 $0xC0;
	v10 =	vld [tilespmem:s15+$0x0]  }
.LBB2_16:
0x107: {  	v16 =	vld [tilespmem:s14+$0xFFFFFFC0];
	v14 =	vadd.f32 v15, v14;
	v11 =	vmul.f32 v13, v11;
	s15 =	sadd.s32 $0x400, s15  }
0x108: {  	s13 =	sadd.s32 $0x8, s13;
	v13 =	vld [tilespmem:s15+$0xFFFFFF90]  }
0x109: {  	p0 =	slt.u32 s13, $0xF8;
	v15 =	vld [tilespmem:s14+$0xFFFFFFD0];
	v11 =	vadd.f32 v11, v14;
	v9 =	vmul.f32 v12, v9  }
0x10a: {  	v12 =	vld [tilespmem:s15+$0xFFFFFFA0]  }
0x10b: {  	v14 =	vld [tilespmem:s14+$0xFFFFFFE0];
	v9 =	vadd.f32 v9, v11;
	v8 =	vmul.f32 v10, v8  }
0x10c: {  	v10 =	vld [tilespmem:s15+$0xFFFFFFB0]  }
0x10d: {  	v11 =	vmul.f32 v13, v16;
	v16 =	vld [tilespmem:s14+$0xFFFFFFF0];
	v8 =	vadd.f32 v8, v9  }
0x10e: {  	v9 =	vld [tilespmem:s15+$0xFFFFFFC0]  }
0x10f: {  	v8 =	vadd.f32 v11, v8;
	v11 =	vmul.f32 v12, v15;
	v15 =	vld [tilespmem:s14+$0x0]  }
0x110: {  	v17 =	vld [tilespmem:s15+$0xFFFFFFD0]  }
0x111: {  	v8 =	vadd.f32 v11, v8;
	v10 =	vmul.f32 v10, v14;
	v11 =	vld [tilespmem:s14+$0x10]  }
.Ltmp7:
0x112: {  	v13 =	vld [tilespmem:s15+$0xFFFFFFE0];
	(pc) =	sbr.rel @p0 .LBB2_16-.Ltmp7, $4  }
0x113: {  	v8 =	vadd.f32 v10, v8;
	v10 =	vmul.f32 v9, v16;
	v9 =	vld [tilespmem:s14+$0x20]  }
0x114: {  	v12 =	vld [tilespmem:s15+$0xFFFFFFF0]  }
0x115: {  	v14 =	vadd.f32 v10, v8;
	v15 =	vmul.f32 v17, v15;
	v8 =	vld [tilespmem:s14+$0x30]  }
0x116: {  	s14 =	sadd.s32 $0x80, s14;
	v10 =	vld [tilespmem:s15+$0x0]  }
0x117: {  	(v2sf) =	vpush v1, $0x0  }
0x118: {  	(v2sf) =	vpush v1, $0x1  }
0x119: {  	(v2sf) =	vpush v1, $0x2  }
0x11a: {  	(v2sf) =	vpush v1, $0x3  }
0x11b: {  	(v2sf) =	vpush v1, $0x4  }
0x11c: {  	(v2sf) =	vpush v1, $0x5  }
0x11d: {  	(v2sf) =	vpush v1, $0x6  }
0x11e: {  	(v2sf) =	vpush v1, $0x7  }
0x11f: {  	(v2sf) =	vpush v1, $0x8  }
0x120: {  	(v2sf) =	vpush v1, $0x9  }
0x121: {  	(v2sf) =	vpush v1, $0xA  }
0x122: {  	(v2sf) =	vpush v1, $0xB  }
0x123: {  	(v2sf) =	vpush v1, $0xC  }
0x124: {  	(v2sf) =	vpush v1, $0xD  }
0x125: {  	(v2sf) =	vpush v1, $0xE  }
0x126: {  	s22 =	spop (v2sf);
	(v2sf) =	vpush v1, $0xF  }
0x127: {  	s23 =	spop (v2sf);
	(v2sf) =	vpush v2, $0x0  }
0x128: {  	s24 =	spop (v2sf);
	(v2sf) =	vpush v2, $0x1  }
0x129: {  	s25 =	spop (v2sf);
	(v2sf) =	vpush v2, $0x2  }
0x12a: {  	s26 =	spop (v2sf);
	(v2sf) =	vpush v2, $0x3  }
0x12b: {  	s28 =	spop (v2sf);
	(v2sf) =	vpush v2, $0x4  }
0x12c: {  	s29 =	spop (v2sf);
	(v2sf) =	vpush v2, $0x5  }
0x12d: {  	s21 =	spop (v2sf);
	(v2sf) =	vpush v2, $0x6  }
0x12e: {  	s20 =	spop (v2sf);
	(v2sf) =	vpush v2, $0x7  }
0x12f: {  	s19 =	spop (v2sf);
	(v2sf) =	vpush v2, $0x8  }
0x130: {  	s18 =	spop (v2sf);
	(v2sf) =	vpush v2, $0x9  }
0x131: {  	s17 =	spop (v2sf);
	(v2sf) =	vpush v2, $0xA  }
0x132: {  	s16 =	spop (v2sf);
	(v2sf) =	vpush v2, $0xB  }
0x133: {  	s15 =	spop (v2sf);
	(v2sf) =	vpush v2, $0xC  }
0x134: {  	s14 =	spop (v2sf);
	(v2sf) =	vpush v2, $0xD  }
0x135: {  	s13 =	spop (v2sf);
	(v2sf) =	vpush v2, $0xE  }
0x136: {  	s30 =	spop (v2sf);
	(v2sf) =	vpush v2, $0xF  }
0x137: {  	s31 =	spop (v2sf);
	(v2sf) =	vpush v3, $0x0  }
0x138: {  	s0 =	spop (v2sf);
	(v2sf) =	vpush v3, $0x1  }
0x139: {  	s22 =	sadd.f32 s23, s22;
	s2 =	spop (v2sf);
	(v2sf) =	vpush v3, $0x2  }
0x13a: {  	s1 =	spop (v2sf);
	(v2sf) =	vpush v3, $0x3  }
0x13b: {  	s22 =	sadd.f32 s22, s24;
	s4 =	spop (v2sf);
	(v2sf) =	vpush v3, $0x4  }
0x13c: {  	s7 =	spop (v2sf);
	(v2sf) =	vpush v3, $0x5  }
0x13d: {  	s22 =	sadd.f32 s22, s25;
	s5 =	spop (v2sf);
	(v2sf) =	vpush v3, $0x6  }
0x13e: {  	s30 =	sadd.f32 s31, s30;
	s31 =	spop (v2sf);
	(v2sf) =	vpush v3, $0x7  }
0x13f: {  	s22 =	sadd.f32 s22, s26;
	s8 =	spop (v2sf);
	(v2sf) =	vpush v3, $0x8  }
0x140: {  	s0 =	sadd.f32 s30, s0;
	s30 =	spop (v2sf);
	(v2sf) =	vpush v3, $0x9  }
0x141: {  	s22 =	sadd.f32 s22, s28;
	s26 =	spop (v2sf);
	(v2sf) =	vpush v3, $0xA  }
0x142: {  	s0 =	sadd.f32 s0, s2;
	s3 =	spop (v2sf);
	(v2sf) =	vpush v3, $0xB  }
0x143: {  	s22 =	sadd.f32 s22, s29;
	s6 =	spop (v2sf);
	(v2sf) =	vpush v3, $0xC  }
0x144: {  	s0 =	sadd.f32 s0, s1;
	s1 =	spop (v2sf);
	(v2sf) =	vpush v3, $0xD  }
0x145: {  	s21 =	sadd.f32 s22, s21;
	s29 =	spop (v2sf);
	(v2sf) =	vpush v3, $0xE  }
0x146: {  	s0 =	sadd.f32 s0, s4;
	s10 =	spop (v2sf);
	(v2sf) =	vpush v3, $0xF  }
0x147: {  	s20 =	sadd.f32 s21, s20;
	s11 =	spop (v2sf);
	(v2sf) =	vpush v4, $0x0  }
0x148: {  	s0 =	sadd.f32 s0, s7;
	s7 =	spop (v2sf);
	(v2sf) =	vpush v4, $0x1  }
0x149: {  	s19 =	sadd.f32 s20, s19;
	s4 =	spop (v2sf);
	(v2sf) =	vpush v4, $0x2  }
0x14a: {  	s0 =	sadd.f32 s0, s5;
	s5 =	spop (v2sf);
	(v2sf) =	vpush v4, $0x3  }
0x14b: {  	s18 =	sadd.f32 s19, s18;
	s25 =	spop (v2sf);
	(v2sf) =	vpush v4, $0x4  }
0x14c: {  	s0 =	sadd.f32 s0, s31;
	s24 =	spop (v2sf);
	(v2sf) =	vpush v4, $0x5  }
0x14d: {  	s19 =	sadd.f32 s18, s17;
	s23 =	spop (v2sf);
	(v2sf) =	vpush v4, $0x6  }
0x14e: {  	s0 =	sadd.f32 s0, s8;
	s22 =	spop (v2sf);
	(v2sf) =	vpush v4, $0x7  }
0x14f: {  	s8 =	sadd.f32 s19, s16;
	s21 =	spop (v2sf);
	(v2sf) =	vpush v4, $0x8  }
0x150: {  	s0 =	sadd.f32 s0, s30;
	s20 =	spop (v2sf);
	(v2sf) =	vpush v4, $0x9  }
0x151: {  	s10 =	sadd.f32 s11, s10;
	s19 =	spop (v2sf);
	(v2sf) =	vpush v4, $0xA  }
0x152: {  	s0 =	sadd.f32 s0, s26;
	s18 =	spop (v2sf);
	(v2sf) =	vpush v4, $0xB  }
0x153: {  	s8 =	sadd.f32 s8, s15;
	s17 =	spop (v2sf);
	(v2sf) =	vpush v4, $0xC  }
0x154: {  	s0 =	sadd.f32 s0, s3;
	s16 =	spop (v2sf);
	(v2sf) =	vpush v4, $0xD  }
0x155: {  	s7 =	sadd.f32 s10, s7;
	s15 =	spop (v2sf);
	(v2sf) =	vpush v4, $0xE  }
0x156: {  	s0 =	sadd.f32 s0, s6;
	s3 =	spop (v2sf);
	(v2sf) =	vpush v4, $0xF  }
0x157: {  	s31 =	sadd.f32 s8, s14;
	s6 =	spop (v2sf);
	(v2sf) =	vpush v5, $0x0  }
0x158: {  	s0 =	sadd.f32 s0, s1;
	s26 =	spop (v2sf);
	(v2sf) =	vpush v5, $0x1  }
0x159: {  	s4 =	sadd.f32 s7, s4;
	s28 =	spop (v2sf);
	(v2sf) =	vpush v5, $0x2  }
0x15a: {  	s14 =	sadd.f32 s0, s29;
	s29 =	spop (v2sf);
	(v2sf) =	vpush v5, $0x3  }
0x15b: {  	s13 =	sadd.f32 s31, s13;
	s30 =	spop (v2sf);
	(v2sf) =	vpush v5, $0x4  }
0x15c: {  	s2 =	sadd.f32 s6, s3;
	s31 =	spop (v2sf);
	(v2sf) =	vpush v5, $0x5  }
0x15d: {  	s4 =	sadd.f32 s4, s5;
	s6 =	spop (v2sf);
	(v2sf) =	vpush v5, $0x6  }
0x15e: {  	s1 =	sadd.f32 s2, s26;
	s3 =	spop (v2sf);
	(v2sf) =	vpush v5, $0x7  }
0x15f: {  	s4 =	sadd.f32 s4, s25;
	s26 =	spop (v2sf);
	(v2sf) =	vpush v5, $0x8  }
0x160: {  	s1 =	sadd.f32 s1, s28;
	s11 =	spop (v2sf);
	(v2sf) =	vpush v5, $0x9  }
0x161: {  	s4 =	sadd.f32 s4, s24;
	s28 =	spop (v2sf);
	(v2sf) =	vpush v5, $0xA  }
0x162: {  	s0 =	sadd.f32 s1, s29;
	s1 =	spop (v2sf);
	(v2sf) =	vpush v5, $0xB  }
0x163: {  	s4 =	sadd.f32 s4, s23;
	s29 =	spop (v2sf);
	(v2sf) =	vpush v5, $0xC  }
0x164: {  	s0 =	sadd.f32 s0, s30;
	s10 =	spop (v2sf);
	(v2sf) =	vpush v5, $0xD  }
0x165: {  	s4 =	sadd.f32 s4, s22;
	s30 =	spop (v2sf);
	(v2sf) =	vpush v5, $0xE  }
0x166: {  	s0 =	sadd.f32 s0, s31;
	s8 =	spop (v2sf);
	(v2sf) =	vpush v5, $0xF  }
0x167: {  	s4 =	sadd.f32 s4, s21;
	s31 =	spop (v2sf);
	(v2sf) =	vpush v6, $0x0  }
0x168: {  	s0 =	sadd.f32 s0, s6;
	s7 =	spop (v2sf);
	(v2sf) =	vpush v6, $0x1  }
0x169: {  	s4 =	sadd.f32 s4, s20;
	s6 =	spop (v2sf);
	(v2sf) =	vpush v6, $0x2  }
0x16a: {  	s0 =	sadd.f32 s0, s3;
	s2 =	spop (v2sf);
	(v2sf) =	vpush v6, $0x3  }
0x16b: {  	s4 =	sadd.f32 s4, s19;
	s3 =	spop (v2sf);
	(v2sf) =	vpush v6, $0x4  }
0x16c: {  	s0 =	sadd.f32 s0, s26;
	s26 =	spop (v2sf);
	(v2sf) =	vpush v6, $0x5  }
0x16d: {  	s4 =	sadd.f32 s4, s18;
	s25 =	spop (v2sf);
	(v2sf) =	vpush v6, $0x6  }
0x16e: {  	s0 =	sadd.f32 s0, s11;
	s24 =	spop (v2sf);
	(v2sf) =	vpush v6, $0x7  }
0x16f: {  	s4 =	sadd.f32 s4, s17;
	s23 =	spop (v2sf);
	(v2sf) =	vpush v6, $0x8  }
0x170: {  	s0 =	sadd.f32 s0, s28;
	s22 =	spop (v2sf);
	(v2sf) =	vpush v6, $0x9  }
0x171: {  	s5 =	sadd.f32 s4, s16;
	s21 =	spop (v2sf);
	(v2sf) =	vpush v6, $0xA  }
0x172: {  	s0 =	sadd.f32 s0, s1;
	s20 =	spop (v2sf);
	(v2sf) =	vpush v6, $0xB  }
0x173: {  	s11 =	sadd.f32 s31, s8;
	s19 =	spop (v2sf);
	(v2sf) =	vpush v6, $0xC  }
0x174: {  	s0 =	sadd.f32 s0, s29;
	s18 =	spop (v2sf);
	(v2sf) =	vpush v6, $0xD  }
0x175: {  	s4 =	sadd.f32 s11, s7;
	s17 =	spop (v2sf);
	(v2sf) =	vpush v6, $0xE  }
0x176: {  	s0 =	sadd.f32 s0, s10;
	s10 =	spop (v2sf);
	(v2sf) =	vpush v6, $0xF  }
0x177: {  	s28 =	spop (v2sf);
	(v2sf) =	vpush v7, $0x0  }
0x178: {  	s4 =	sadd.f32 s4, s6;
	s29 =	spop (v2sf);
	(v2sf) =	vpush v7, $0x1  }
0x179: {  	s16 =	sadd.f32 s0, s30;
	s30 =	spop (v2sf);
	(v2sf) =	vpush v7, $0x2  }
0x17a: {  	s1 =	sadd.f32 s28, s10;
	s8 =	spop (v2sf);
	(v2sf) =	vpush v7, $0x3  }
0x17b: {  	s2 =	sadd.f32 s4, s2;
	s10 =	spop (v2sf);
	(v2sf) =	vpush v7, $0x4  }
0x17c: {  	s0 =	sadd.f32 s1, s29;
	s11 =	spop (v2sf);
	(v2sf) =	vpush v7, $0x5  }
0x17d: {  	s2 =	sadd.f32 s2, s3;
	s31 =	spop (v2sf);
	(v2sf) =	vpush v7, $0x6  }
0x17e: {  	s0 =	sadd.f32 s0, s30;
	s28 =	spop (v2sf);
	(v2sf) =	vpush v7, $0x7  }
0x17f: {  	v1 =	vadd.f32 v15, v14;
	v2 =	vmul.f32 v13, v11;
	s2 =	sadd.f32 s2, s26;
	s29 =	spop (v2sf);
	(v2sf) =	vpush v7, $0x8  }
0x180: {  	s0 =	sadd.f32 s0, s8;
	s30 =	spop (v2sf);
	(v2sf) =	vpush v7, $0x9  }
0x181: {  	v1 =	vadd.f32 v2, v1;
	v2 =	vmul.f32 v12, v9;
	s2 =	sadd.f32 s2, s25;
	s8 =	spop (v2sf);
	(v2sf) =	vpush v7, $0xA  }
0x182: {  	s0 =	sadd.f32 s0, s10;
	s6 =	spop (v2sf);
	(v2sf) =	vpush v7, $0xB  }
0x183: {  	v1 =	vadd.f32 v2, v1;
	v2 =	vmul.f32 v10, v8;
	s2 =	sadd.f32 s2, s24;
	s10 =	spop (v2sf);
	(v2sf) =	vpush v7, $0xC  }
0x184: {  	s0 =	sadd.f32 s0, s11;
	s1 =	spop (v2sf);
	(v2sf) =	vpush v7, $0xD  }
0x185: {  	v1 =	vadd.f32 v2, v1;
	s2 =	sadd.f32 s2, s23;
	s11 =	spop (v2sf);
	(v2sf) =	vpush v7, $0xE  }
0x186: {  	s0 =	sadd.f32 s0, s31;
	s4 =	spop (v2sf);
	(v2sf) =	vpush v7, $0xF  }
0x187: {  	s2 =	sadd.f32 s2, s22;
	s31 =	spop (v2sf);
	(v2sf) =	vpush v1, $0x0  }
0x188: {  	s0 =	sadd.f32 s0, s28;
	s7 =	spop (v2sf);
	(v2sf) =	vpush v1, $0x1  }
0x189: {  	s2 =	sadd.f32 s2, s21;
	s25 =	spop (v2sf)  }
0x18a: {  	s0 =	sadd.f32 s0, s29;
	(v2sf) =	vpush v1, $0x2;
	s26 =	spop (v2sf)  }
0x18b: {  	s2 =	sadd.f32 s2, s20;
	s28 =	spop (v2sf)  }
0x18c: {  	s0 =	sadd.f32 s0, s30;
	(v2sf) =	vpush v1, $0x3;
	s29 =	spop (v2sf)  }
0x18d: {  	s2 =	sadd.f32 s2, s19;
	s30 =	spop (v2sf)  }
0x18e: {  	(v2sf) =	vpush v1, $0x4;
	s0 =	sadd.f32 s0, s8;
	s8 =	spop (v2sf)  }
0x18f: {  	s2 =	sadd.f32 s2, s18;
	s19 =	spop (v2sf)  }
0x190: {  	s0 =	sadd.f32 s0, s6;
	(v2sf) =	vpush v1, $0x5;
	s6 =	spop (v2sf)  }
0x191: {  	s17 =	sadd.f32 s2, s17;
	s24 =	spop (v2sf)  }
0x192: {  	s0 =	sadd.f32 s0, s10;
	(v2sf) =	vpush v1, $0x6;
	s10 =	spop (v2sf)  }
0x193: {  	s4 =	sadd.f32 s31, s4;
	s2 =	spop (v2sf)  }
0x194: {  	(v2sf) =	vpush v1, $0x7;
	s0 =	sadd.f32 s0, s1;
	s1 =	spop (v2sf)  }
0x195: {  	s15 =	sadd.f32 s5, s15;
	s23 =	spop (v2sf)  }
0x196: {  	s4 =	sadd.f32 s4, s7;
	(v2sf) =	vpush v1, $0x8;
	s31 =	spop (v2sf)  }
0x197: {  	s18 =	sadd.f32 s0, s11;
	s11 =	spop (v2sf)  }
0x198: {  	(v2sf) =	vpush v1, $0x9;
	s0 =	sadd.f32 s11, s31  }
0x199: {  	s4 =	sadd.f32 s4, s25;
	s25 =	spop (v2sf)  }
0x19a: {  	(v2sf) =	vpush v1, $0xA;
	s0 =	sadd.f32 s0, s25  }
0x19b: {  	s3 =	sadd.f32 s4, s26;
	s26 =	spop (v2sf)  }
0x19c: {  	(v2sf) =	vpush v1, $0xB;
	s0 =	sadd.f32 s0, s26  }
0x19d: {  	s3 =	sadd.f32 s3, s28;
	s28 =	spop (v2sf)  }
0x19e: {  	(v2sf) =	vpush v1, $0xC;
	s0 =	sadd.f32 s0, s28  }
0x19f: {  	s3 =	sadd.f32 s3, s29;
	s29 =	spop (v2sf)  }
0x1a0: {  	(v2sf) =	vpush v1, $0xD;
	s0 =	sadd.f32 s0, s29  }
0x1a1: {  	s3 =	sadd.f32 s3, s30;
	s30 =	spop (v2sf)  }
0x1a2: {  	(v2sf) =	vpush v1, $0xE;
	s0 =	sadd.f32 s0, s30  }
0x1a3: {  	s3 =	sadd.f32 s3, s8;
	s31 =	spop (v2sf)  }
0x1a4: {  	(v2sf) =	vpush v1, $0xF;
	s0 =	sadd.f32 s0, s31  }
0x1a5: {  	s3 =	sadd.f32 s3, s19;
	s5 =	spop (v2sf)  }
0x1a6: {  	s0 =	sadd.f32 s0, s5  }
0x1a7: {  	s3 =	sadd.f32 s3, s6;
	s7 =	spop (v2sf)  }
0x1a8: {  	s0 =	sadd.f32 s0, s7  }
0x1a9: {  	s3 =	sadd.f32 s3, s24;
	s8 =	spop (v2sf)  }
0x1aa: {  	s0 =	sadd.f32 s0, s8  }
0x1ab: {  	s3 =	sadd.f32 s3, s10;
	s10 =	spop (v2sf)  }
0x1ac: {  	s0 =	sadd.f32 s0, s10  }
0x1ad: {  	s2 =	sadd.f32 s3, s2;
	s11 =	spop (v2sf)  }
0x1ae: {  	s22 =	smax.f32 s13, s14;
	s0 =	sadd.f32 s0, s11  }
0x1af: {  	s1 =	sadd.f32 s2, s1;
	s19 =	spop (v2sf)  }
0x1b0: {  	s24 =	smax.f32 s22, s15;
	s0 =	sadd.f32 s0, s19  }
0x1b1: {  	s21 =	sadd.f32 s1, s23;
	s20 =	spop (v2sf)  }
0x1b2: {  	s1 =	smax.f32 s24, s16;
	s0 =	sadd.f32 s0, s20  }
0x1b3: {  	s1 =	smax.f32 s1, s17;
	s25 =	spop (v2sf)  }
0x1b4: {  	s1 =	smax.f32 s1, s18;
	s0 =	sadd.f32 s0, s25  }
0x1b5: {  	s1 =	smax.f32 s1, s21  }
0x1b6: {  	s1 =	smax.f32 s1, s0  }
0x1b7: {  	p0 =	seq.f32 s21, s1  }
0x1b8: {  	s19 =	simm.s32 $0x6;
	p1 =	seq.f32 s18, s1  }
0x1b9: {  	s19 =	simm.s32 @!p0 $0x7;
	p0 =	seq.f32 s17, s1  }
0x1ba: {  	s19 =	simm.s32 @p1 $0x5;
	p1 =	seq.f32 s16, s1  }
0x1bb: {  	s19 =	simm.s32 @p0 $0x4  }
0x1bc: {  	p0 =	sne.f32 s13, s1;
	s19 =	simm.s32 @p1 $0x3;
	p1 =	seq.f32 s15, s1  }
0x1bd: {  	s20 =	smov.u32 s13;
	p2 =	seq.f32 s14, s1  }
0x1be: {  	s2 =	simm.s32 @!p0 $0x0;
	s19 =	simm.s32 @p1 $0x2;
	p1 =	sgt.f32 s13, $-Inf  }
0x1bf: {  	s20 =	simm.s32 @!p0 $0xFF800000;
	s2 =	simm.s32 @p0 $0x1;
	s19 =	simm.s32 @p2 $0x1  }
0x1c0: {  	[smem:$0x7FD] =	sst s2;
	s19 =	simm.s32 @!p0 $0x0;
	s20 =	simm.s32 @!p1 $0xFF800000  }
0x1c1: {  	p1 =	sne.s32 s19, $0x1;
	p2 =	sgt.f32 s14, s20;
	s2 =	smov.u32 s20  }
0x1c2: {  	s2 =	smov.u32 @p1 s14  }
0x1c3: {  	s20 =	smov.u32 @p2 s2  }
0x1c4: {  	p3 =	sgt.f32 s15, s20  }
0x1c5: {  	s2 =	smov.u32 s20  }
0x1c6: {  	p2 =	sne.s32 s19, $0x2;
	s2 =	smov.u32 @p3 s15  }
0x1c7: {  	s20 =	smov.u32 @p2 s2  }
0x1c8: {  	p4 =	sgt.f32 s16, s20  }
0x1c9: {  	s2 =	smov.u32 s20  }
0x1ca: {  	p3 =	sne.s32 s19, $0x3;
	s2 =	smov.u32 @p4 s16  }
0x1cb: {  	s20 =	smov.u32 @p3 s2  }
0x1cc: {  	p5 =	sgt.f32 s17, s20  }
0x1cd: {  	s2 =	smov.u32 s20  }
0x1ce: {  	p4 =	sne.s32 s19, $0x4;
	s2 =	smov.u32 @p5 s17  }
0x1cf: {  	s20 =	smov.u32 @p4 s2  }
0x1d0: {  	p6 =	sgt.f32 s18, s20  }
0x1d1: {  	s2 =	smov.u32 s20  }
0x1d2: {  	p5 =	sne.s32 s19, $0x5;
	s2 =	smov.u32 @p6 s18  }
0x1d3: {  	s20 =	smov.u32 @p5 s2  }
0x1d4: {  	p6 =	sgt.f32 s21, s20  }
0x1d5: {  	s2 =	smov.u32 s20  }
0x1d6: {  	s2 =	smov.u32 @p6 s21;
	p6 =	sne.s32 s19, $0x6  }
0x1d7: {  	s20 =	smov.u32 @p6 s2  }
0x1d8: {  	p0 =	sgt.f32 s0, s20  }
0x1d9: {  	s2 =	smov.u32 s20  }
0x1da: {  	s2 =	smov.u32 @p0 s0;
	p0 =	sne.s32 s19, $0x7  }
0x1db: {  	s20 =	smov.u32 @p0 s2  }
0x1dc: {  	s26 =	ssub.f32 s20, s1;
	_ =	sdelay $0x1  }
0x1dd: {  	v1 =	vmov s26  }
0x1de: {  	v1 =	vmul.f32 $1.442695020e+00, v1;
	_ =	sdelay $0x1  }
0x1df: {  	v1 =	vbroadcast v1, $0x0;
	_ =	sdelay $0x1  }
0x1e0: {  	p0 =	seq.f32 s21, s20;
	(erf) = vpow2.f32 v1  }
0x1e1: {  	s0 =	simm.s32 $0x6  }
0x1e2: {  	s0 =	simm.s32 @!p0 $0x7  }
0x1e3: {  	p0 =	seq.f32 s18, s20;
	s0 =	simm.s32 @!p6 $0x7  }
0x1e4: {  	s1 =	smov.u32 s0  }
0x1e5: {  	s1 =	simm.s32 @p0 $0x5  }
0x1e6: {  	p0 =	seq.f32 s17, s20;
	s0 =	smov.u32 @p5 s1  }
0x1e7: {  	s1 =	smov.u32 s0  }
0x1e8: {  	s1 =	simm.s32 @p0 $0x4  }
0x1e9: {  	p0 =	seq.f32 s16, s20;
	s0 =	smov.u32 @p4 s1;
	v1 =	vpop (erf)  }
0x1ea: {  	s1 =	smov.u32 s0;
	v1 =	vadd.f32 $1.000000000e+00, v1  }
0x1eb: {  	s1 =	simm.s32 @p0 $0x3  }
0x1ec: {  	p0 =	seq.f32 s15, s20;
	s0 =	smov.u32 @p3 s1;
	(erf) = vrcp.f32 v1  }
0x1ed: {  	s1 =	smov.u32 s0  }
0x1ee: {  	s1 =	simm.s32 @p0 $0x2  }
0x1ef: {  	p0 =	seq.f32 s14, s20;
	s0 =	smov.u32 @p2 s1  }
0x1f0: {  	s1 =	smov.u32 s0  }
0x1f1: {  	s28 =	sld [smem:$0x7FD];
	s1 =	simm.s32 @p0 $0x1  }
0x1f2: {  	p0 =	seq.f32 s13, s20;
	s0 =	smov.u32 @p1 s1  }
0x1f3: {  	s1 =	smov.u32 s0  }
0x1f4: {  	s1 =	simm.s32 @p0 $0x0;
	p0 =	seq.s32 s28, $0x1  }
0x1f5: {  	s0 =	smov.u32 @p0 s1;
	v1 =	vpop (erf)  }
0x1f6: {  	v3 =	vmov s19;
	v63 =	vmov s0;
	v2 =	vsub.f32 $1.000000000e+00, v1  }
0x1f7: {  	vm0 =	veq.s32 v3, v0;
	vm1 =	veq.s32 v63, v0  }
0x1f8: {  	v1 =	vnsel vm0, $0x0, v1;
	v2 =	vnsel vm1, $0x0, v2  }
0x1f9: {  	v1 =	vadd.f32 v2, v1;
	_ =	sdelay $0x1  }
0x1fa: {  	s29 =	rddreg [dreg:$0x5];
	s30 =	simm.s32 $0x9000;
	s1 =	simm.s32 $0x0;
	[tilespmem:$0x9000] =	vst v1  }
0x1fb: {  	[hbm4b:s29+s1] =	stream.linear.scatter [tilespmem:s30], [sflag:$0x1], $0x80, $0x38;
	[tilespmem:$0x9080] =	vst v63  }
0x1fc: {  	_ =	swait.ge [sflag:s9], $0x80  }
0x1fd: {  	s12 =	sadd.s32 $0x1, s12;
	s31 =	rddreg [dreg:$0x6]  }
0x1fe: {  	p0 =	sne.s32 s12, s31  }
.Ltmp8:
0x1ff: {  	_ = 	snop;
	(pc) =	sbr.rel @p0 .LBB2_1-.Ltmp8, $3  }
0x200: {  	_ =	sdelay $0x1  }
0x201: {  	[sflag:s9] =	ssyncset.done $0x0  }
0x202: {  	[sflag:s9] =	ssyncadd.s32 $0xFFFFFF80  }
0x203: {  	_ =	sfence.sel $0x180000  }
0x204: {  	[bflag:$0x0] =	sbarrier.arrive $0xFFFF  }
0x205: {  	_ =	strace $0x90000047  }
0x206: {  	s0 =	stileid.u32;
	[bflag:$0x2] =	sbarrier.arrive $0xFFFF  }
0x207: {  	p0 =	sne.s32 s0, $0x0;
	s0 =	rddreg [dreg:$0x3]  }
0x208: {  	s0 =	sadd.s32 @!p0 $0x100000, s0  }
0x209: {  	[sflag:s0] =	ssyncadd.tile.s32 @!p0 $0x1;
	_ =	shalt  }
.Lfunc_end2:
_tile_overlayer_lowered:
.L_overlay_start_2:
0x20a: {  	(tag) =	ssettag $0x2  }
0x20b: {  	s0 =	rddreg [dreg:$0x0];
	s2 =	stileid.u32  }
0x20c: {  	s1 =	rddreg [dreg:$0x1];
	p0 =	sne.s32 s2, $0x0  }
0x20d: {  	s3 =	rddreg [dreg:$0x2];
	[bflag:$0x3] =	sbarrier.arrive $0xFFFF;
	s2 =	simm.s32 @!p0 $0x1C01  }
0x20e: {  	[timem:s3], [sflag:s2] =	dma.local @!p0 [hbm:s0], s1  }
0x20f: {  	s0 =	simm.s32 @!p0 $0x1  }
0x210: {  	_ =	swait.ge @!p0 [sflag:s0], s1  }
0x211: {  	s1 =	ssub.s32 @!p0 $0x0, s1;
	[sflag:s0] =	ssyncset.done @!p0 $0x0  }
0x212: {  	[sflag:s0] =	ssyncadd.s32 @!p0 s1  }
0x213: {  	[bflag:$0x3] =	sbarrier.arrive $0xFFFF  }
0x214: {  	_ =	shalt  }

</sc_bundles>
